<compile_context>
chip_gen: v7x
topology: tpu7x:2x2x1
jax: 0.10.2.dev20260603
libtpu: 0.0.44.dev20260713+nightly
codegen_flags: <defaults>
</compile_context>

<pallas_src>
import functools

import jax
import jax.numpy as jnp
from jax.experimental import pallas as pl
from jax.experimental.pallas import tpu as pltpu
from jax.experimental.pallas import tpu_sc as plsc

_NUM_CODES = 8192
_HALF = _NUM_CODES // 2
_DIM = 256
_ROWS = 12544
_RB = 256
_GRID = _ROWS // _RB
_N_ELEMS = _ROWS * _DIM
_LOSS_SCALE = 1.25 / _N_ELEMS

_NW = 32
_BPW = _ROWS // _NW
_CHUNK = 56
_NCHUNK = _BPW // _CHUNK


def _half_argmin(d):
    dmin = jnp.min(d, axis=1)
    lanes = jax.lax.broadcasted_iota(jnp.int32, d.shape, 1)
    idx = jnp.min(jnp.where(d == dmin[:, None], lanes, _NUM_CODES), axis=1)
    return dmin, idx


def _dist_argmin_body(x_ref, wk_ref, idx_ref, loss_ref):
    i = pl.program_id(0)
    x = x_ref[...]
    wk = wk_ref[...]
    z2 = jnp.sum(x * x, axis=1, keepdims=True)
    wk2 = jnp.sum(wk * wk, axis=1)
    s = jax.lax.dot_general(x, wk, (((1,), (1,)), ((), ())),
                            preferred_element_type=jnp.float32)
    d = (z2 + wk2[None, :]) - 2.0 * s
    va, ia = _half_argmin(d[:, :_HALF])
    vb, ib = _half_argmin(d[:, _HALF:])
    ra = va.astype(jnp.bfloat16).astype(jnp.float32)
    pick_a = ra <= vb
    idx = jnp.where(pick_a, ia, ib + _HALF)
    idx_ref[0, 0, :] = idx

    @pl.when(i == 0)
    def _init():
        loss_ref[0, 0] = 0.0

    dsel = jnp.where(pick_a, va, vb)
    loss_ref[0, 0] += jnp.sum(dsel) * _LOSS_SCALE


def _dist_argmin(zf, Wk):
    return pl.pallas_call(
        _dist_argmin_body,
        grid=(_GRID,),
        in_specs=[
            pl.BlockSpec((_RB, _DIM), lambda i: (i, 0)),
            pl.BlockSpec((_NUM_CODES, _DIM), lambda i: (0, 0)),
        ],
        out_specs=[
            pl.BlockSpec((1, 1, _RB), lambda i: (i, 0, 0)),
            pl.BlockSpec(memory_space=pltpu.SMEM, block_shape=(1, 1),
                         index_map=lambda i: (0, 0)),
        ],
        out_shape=[
            jax.ShapeDtypeStruct((_GRID, 1, _RB), jnp.int32),
            jax.ShapeDtypeStruct((1, 1), jnp.float32),
        ],
    )(zf, Wk)


def _sc_gather_rows(table, idx):
    mesh = plsc.VectorSubcoreMesh(core_axis_name="c", subcore_axis_name="s")

    @functools.partial(
        pl.kernel,
        mesh=mesh,
        out_type=jax.ShapeDtypeStruct((_ROWS, _DIM), jnp.float32),
        scratch_types=[
            pltpu.VMEM((_BPW,), jnp.int32),
            pltpu.VMEM((_BPW, _DIM), jnp.float32),
            pltpu.SemaphoreType.DMA,
        ],
    )
    def gk(table_hbm, idx_hbm, out_hbm, idx_v, rows_v, sem):
        wid = jax.lax.axis_index("s") * 2 + jax.lax.axis_index("c")
        base = wid * _BPW
        pltpu.sync_copy(idx_hbm.at[pl.ds(base, _BPW)], idx_v)
        copies = []
        for k in range(_NCHUNK):
            copies.append(pltpu.async_copy(
                table_hbm.at[idx_v.at[pl.ds(k * _CHUNK, _CHUNK)]],
                rows_v.at[pl.ds(k * _CHUNK, _CHUNK)],
                sem))
        for c in copies:
            c.wait()
        pltpu.sync_copy(rows_v, out_hbm.at[pl.ds(base, _BPW)])

    return gk(table, idx)


def kernel(z, Wk, Wv):
    B, C, D, H, W = z.shape
    zf = jnp.transpose(z, (0, 2, 3, 4, 1)).reshape(_ROWS, _DIM)
    idx3, loss11 = _dist_argmin(zf, Wk)
    idx = idx3.reshape(_ROWS)
    rows = _sc_gather_rows(Wv, idx)
    z_q_value = rows.reshape(B, D, H, W, C).transpose(0, 4, 1, 2, 3)
    return (z_q_value, idx, loss11.reshape(()))

# --- scband reference (transcript-rebuilt; emitter-appended) ---
"""Pipeline reference for scband-codebook-42219528519948 (READ-ONLY COPY).

The authoritative reference and input builder live on the scoring server;
editing this copy changes nothing except your own understanding.
"""

import jax, jax.numpy as jnp
import numpy as np

NUM_CODES = 8192
LATENT_DIM = 256
BETA = 0.25

def setup_inputs(seed: int = 0) -> dict:
    key = jax.random.key(seed)
    k1, k2, k3 = jax.random.split(key, 3)
    z = jax.random.normal(k1, (4, 256, 4, 28, 28), dtype=jnp.float32)
    lim = 1.0 / NUM_CODES
    Wk = jax.random.uniform(k2, (NUM_CODES, LATENT_DIM), minval=-lim, maxval=lim, dtype=jnp.float32)
    Wv = jax.random.uniform(k3, (NUM_CODES, LATENT_DIM), minval=-lim, maxval=lim, dtype=jnp.float32)
    return {"z": z, "Wk": Wk, "Wv": Wv}

def reference(z, Wk, Wv):
    # z: [B, C, D, H, W] -> [B, D, H, W, C]
    zp = jnp.transpose(z, (0, 2, 3, 4, 1))
    z_flat = zp.reshape(-1, LATENT_DIM)
    # pairwise squared distances to codebook keys
    d = (jnp.sum(z_flat ** 2, axis=1, keepdims=True)
         + jnp.sum(Wk ** 2, axis=1)
         - 2.0 * jnp.matmul(z_flat, Wk.T))
    min_encoding_indices = jnp.argmin(d, axis=1)
    z_q_key = jnp.take(Wk, min_encoding_indices, axis=0).reshape(zp.shape)
    z_q_value = jnp.take(Wv, min_encoding_indices, axis=0).reshape(zp.shape)
    loss = (jnp.mean((jax.lax.stop_gradient(z_q_key) - zp) ** 2)
            + BETA * jnp.mean((z_q_key - jax.lax.stop_gradient(zp)) ** 2))
    z_q_value = jnp.transpose(z_q_value, (0, 4, 1, 2, 3))
    return (z_q_value, min_encoding_indices, loss)

if __name__ == "__main__":
    import jax
    _d = setup_inputs()
    print(jax.jit(kernel)(*tuple(_d.values())))

</pallas_src>

<mosaic_0001>
#map = affine_map<(d0, d1) -> (0, 0)>
#map1 = affine_map<(d0, d1) -> (0)>
module attributes {stable_mosaic.version = 14 : i64} {
  func.func @gk(%arg0: i32, %arg1: i32, %arg2: memref<8192x256xf32, #tpu.memory_space<hbm>>, %arg3: memref<12544xi32, #tpu.memory_space<hbm>>, %arg4: memref<12544x256xf32, #tpu.memory_space<hbm>>, %arg5: memref<392xi32, #tpu.memory_space<vmem>>, %arg6: memref<392x256xf32, #tpu.memory_space<vmem>>, %arg7: memref<!tpu.dma_semaphore, #tpu.memory_space<semaphore_mem>>) attributes {dimension_semantics = [#tpu.dimension_semantics<core_parallel>, #tpu.dimension_semantics<subcore_parallel>], iteration_bounds = array<i64: 2, 16>, scalar_prefetch = 0 : i64, scratch_operands = 3 : i64, tpu.core_type = #tpu.core_type<sc_vector_subcore>, window_params = [{transform_indices = #map}, {transform_indices = #map1}, {transform_indices = #map}]} {
    %mul3A = arith.constant 2 : i32
    %mul3A_0 = arith.muli %arg1, %mul3A : i32
    %add3A = arith.addi %mul3A_0, %arg0 : i32
    %mul3A_1 = arith.constant 392 : i32
    %mul3A_2 = arith.muli %add3A, %mul3A_1 : i32
    "tpu.region"() ({
      %run_scoped3A = tpu.sem_alloc : memref<!tpu.dma_semaphore, #tpu.memory_space<semaphore_mem>>
      %dma_start3A_113 = tpu.memref_slice %arg3[%mul3A_2] : memref<12544xi32, #tpu.memory_space<hbm>> -> memref<392xi32, #tpu.memory_space<hbm>>
      %dma_start3A_114 = tpu.memref_slice %arg3[%mul3A_2] : memref<12544xi32, #tpu.memory_space<hbm>> -> memref<392xi32, #tpu.memory_space<hbm>>
      tpu.enqueue_dma source(%dma_start3A_114 : memref<392xi32, #tpu.memory_space<hbm>>) target(%arg5 : memref<392xi32, #tpu.memory_space<vmem>>) target_semaphore(%run_scoped3A : memref<!tpu.dma_semaphore, #tpu.memory_space<semaphore_mem>>)
      %dma_wait3A_115 = tpu.memref_slice %arg3[%mul3A_2] : memref<12544xi32, #tpu.memory_space<hbm>> -> memref<392xi32, #tpu.memory_space<hbm>>
      %dma_wait3A_116 = tpu.memref_slice %arg3[%mul3A_2] : memref<12544xi32, #tpu.memory_space<hbm>> -> memref<392xi32, #tpu.memory_space<hbm>>
      tpu.wait_dma2 semaphore(%run_scoped3A : memref<!tpu.dma_semaphore, #tpu.memory_space<semaphore_mem>>) src(%dma_wait3A_116 : memref<392xi32, #tpu.memory_space<hbm>>) dst(%arg5 : memref<392xi32, #tpu.memory_space<vmem>>)
      tpu.yield
    }) : () -> ()
    %dma_start3A = arith.constant 0 : i32
    %dma_start3A_3 = arith.constant 0 : i32
    %dma_start3A_4 = tpu.memref_slice %arg6[%dma_start3A, %dma_start3A_3] : memref<392x256xf32, #tpu.memory_space<vmem>> -> memref<56x256xf32, #tpu.memory_space<vmem>>
    %dma_start3A_5 = arith.constant 0 : i32
    %dma_start3A_6 = tpu.memref_slice %arg5[%dma_start3A_5] : memref<392xi32, #tpu.memory_space<vmem>> -> memref<56xi32, #tpu.memory_space<vmem>>
    %dma_start3A_7 = arith.constant 0 : i32
    %dma_start3A_8 = arith.constant 0 : i32
    %dma_start3A_9 = tpu.memref_slice %arg2[%dma_start3A_7, %dma_start3A_8] : memref<8192x256xf32, #tpu.memory_space<hbm>> -> memref<8192x256xf32, #tpu.memory_space<hbm>>
    tpu.enqueue_indirect_dma source(%dma_start3A_9 : memref<8192x256xf32, #tpu.memory_space<hbm>>) target(%dma_start3A_4 : memref<56x256xf32, #tpu.memory_space<vmem>>) offsets(%dma_start3A_6 : memref<56xi32, #tpu.memory_space<vmem>>) semaphore(%arg7 : memref<!tpu.dma_semaphore, #tpu.memory_space<semaphore_mem>>)
    %dma_start3A_10 = arith.constant 56 : i32
    %dma_start3A_11 = arith.constant 0 : i32
    %dma_start3A_12 = tpu.memref_slice %arg6[%dma_start3A_10, %dma_start3A_11] : memref<392x256xf32, #tpu.memory_space<vmem>> -> memref<56x256xf32, #tpu.memory_space<vmem>>
    %dma_start3A_13 = arith.constant 56 : i32
    %dma_start3A_14 = tpu.memref_slice %arg5[%dma_start3A_13] : memref<392xi32, #tpu.memory_space<vmem>> -> memref<56xi32, #tpu.memory_space<vmem>>
    %dma_start3A_15 = arith.constant 0 : i32
    %dma_start3A_16 = arith.constant 0 : i32
    %dma_start3A_17 = tpu.memref_slice %arg2[%dma_start3A_15, %dma_start3A_16] : memref<8192x256xf32, #tpu.memory_space<hbm>> -> memref<8192x256xf32, #tpu.memory_space<hbm>>
    tpu.enqueue_indirect_dma source(%dma_start3A_17 : memref<8192x256xf32, #tpu.memory_space<hbm>>) target(%dma_start3A_12 : memref<56x256xf32, #tpu.memory_space<vmem>>) offsets(%dma_start3A_14 : memref<56xi32, #tpu.memory_space<vmem>>) semaphore(%arg7 : memref<!tpu.dma_semaphore, #tpu.memory_space<semaphore_mem>>)
    %dma_start3A_18 = arith.constant 112 : i32
    %dma_start3A_19 = arith.constant 0 : i32
    %dma_start3A_20 = tpu.memref_slice %arg6[%dma_start3A_18, %dma_start3A_19] : memref<392x256xf32, #tpu.memory_space<vmem>> -> memref<56x256xf32, #tpu.memory_space<vmem>>
    %dma_start3A_21 = arith.constant 112 : i32
    %dma_start3A_22 = tpu.memref_slice %arg5[%dma_start3A_21] : memref<392xi32, #tpu.memory_space<vmem>> -> memref<56xi32, #tpu.memory_space<vmem>>
    %dma_start3A_23 = arith.constant 0 : i32
    %dma_start3A_24 = arith.constant 0 : i32
    %dma_start3A_25 = tpu.memref_slice %arg2[%dma_start3A_23, %dma_start3A_24] : memref<8192x256xf32, #tpu.memory_space<hbm>> -> memref<8192x256xf32, #tpu.memory_space<hbm>>
    tpu.enqueue_indirect_dma source(%dma_start3A_25 : memref<8192x256xf32, #tpu.memory_space<hbm>>) target(%dma_start3A_20 : memref<56x256xf32, #tpu.memory_space<vmem>>) offsets(%dma_start3A_22 : memref<56xi32, #tpu.memory_space<vmem>>) semaphore(%arg7 : memref<!tpu.dma_semaphore, #tpu.memory_space<semaphore_mem>>)
    %dma_start3A_26 = arith.constant 168 : i32
    %dma_start3A_27 = arith.constant 0 : i32
    %dma_start3A_28 = tpu.memref_slice %arg6[%dma_start3A_26, %dma_start3A_27] : memref<392x256xf32, #tpu.memory_space<vmem>> -> memref<56x256xf32, #tpu.memory_space<vmem>>
    %dma_start3A_29 = arith.constant 168 : i32
    %dma_start3A_30 = tpu.memref_slice %arg5[%dma_start3A_29] : memref<392xi32, #tpu.memory_space<vmem>> -> memref<56xi32, #tpu.memory_space<vmem>>
    %dma_start3A_31 = arith.constant 0 : i32
    %dma_start3A_32 = arith.constant 0 : i32
    %dma_start3A_33 = tpu.memref_slice %arg2[%dma_start3A_31, %dma_start3A_32] : memref<8192x256xf32, #tpu.memory_space<hbm>> -> memref<8192x256xf32, #tpu.memory_space<hbm>>
    tpu.enqueue_indirect_dma source(%dma_start3A_33 : memref<8192x256xf32, #tpu.memory_space<hbm>>) target(%dma_start3A_28 : memref<56x256xf32, #tpu.memory_space<vmem>>) offsets(%dma_start3A_30 : memref<56xi32, #tpu.memory_space<vmem>>) semaphore(%arg7 : memref<!tpu.dma_semaphore, #tpu.memory_space<semaphore_mem>>)
    %dma_start3A_34 = arith.constant 224 : i32
    %dma_start3A_35 = arith.constant 0 : i32
    %dma_start3A_36 = tpu.memref_slice %arg6[%dma_start3A_34, %dma_start3A_35] : memref<392x256xf32, #tpu.memory_space<vmem>> -> memref<56x256xf32, #tpu.memory_space<vmem>>
    %dma_start3A_37 = arith.constant 224 : i32
    %dma_start3A_38 = tpu.memref_slice %arg5[%dma_start3A_37] : memref<392xi32, #tpu.memory_space<vmem>> -> memref<56xi32, #tpu.memory_space<vmem>>
    %dma_start3A_39 = arith.constant 0 : i32
    %dma_start3A_40 = arith.constant 0 : i32
    %dma_start3A_41 = tpu.memref_slice %arg2[%dma_start3A_39, %dma_start3A_40] : memref<8192x256xf32, #tpu.memory_space<hbm>> -> memref<8192x256xf32, #tpu.memory_space<hbm>>
    tpu.enqueue_indirect_dma source(%dma_start3A_41 : memref<8192x256xf32, #tpu.memory_space<hbm>>) target(%dma_start3A_36 : memref<56x256xf32, #tpu.memory_space<vmem>>) offsets(%dma_start3A_38 : memref<56xi32, #tpu.memory_space<vmem>>) semaphore(%arg7 : memref<!tpu.dma_semaphore, #tpu.memory_space<semaphore_mem>>)
    %dma_start3A_42 = arith.constant 280 : i32
    %dma_start3A_43 = arith.constant 0 : i32
    %dma_start3A_44 = tpu.memref_slice %arg6[%dma_start3A_42, %dma_start3A_43] : memref<392x256xf32, #tpu.memory_space<vmem>> -> memref<56x256xf32, #tpu.memory_space<vmem>>
    %dma_start3A_45 = arith.constant 280 : i32
    %dma_start3A_46 = tpu.memref_slice %arg5[%dma_start3A_45] : memref<392xi32, #tpu.memory_space<vmem>> -> memref<56xi32, #tpu.memory_space<vmem>>
    %dma_start3A_47 = arith.constant 0 : i32
    %dma_start3A_48 = arith.constant 0 : i32
    %dma_start3A_49 = tpu.memref_slice %arg2[%dma_start3A_47, %dma_start3A_48] : memref<8192x256xf32, #tpu.memory_space<hbm>> -> memref<8192x256xf32, #tpu.memory_space<hbm>>
    tpu.enqueue_indirect_dma source(%dma_start3A_49 : memref<8192x256xf32, #tpu.memory_space<hbm>>) target(%dma_start3A_44 : memref<56x256xf32, #tpu.memory_space<vmem>>) offsets(%dma_start3A_46 : memref<56xi32, #tpu.memory_space<vmem>>) semaphore(%arg7 : memref<!tpu.dma_semaphore, #tpu.memory_space<semaphore_mem>>)
    %dma_start3A_50 = arith.constant 336 : i32
    %dma_start3A_51 = arith.constant 0 : i32
    %dma_start3A_52 = tpu.memref_slice %arg6[%dma_start3A_50, %dma_start3A_51] : memref<392x256xf32, #tpu.memory_space<vmem>> -> memref<56x256xf32, #tpu.memory_space<vmem>>
    %dma_start3A_53 = arith.constant 336 : i32
    %dma_start3A_54 = tpu.memref_slice %arg5[%dma_start3A_53] : memref<392xi32, #tpu.memory_space<vmem>> -> memref<56xi32, #tpu.memory_space<vmem>>
    %dma_start3A_55 = arith.constant 0 : i32
    %dma_start3A_56 = arith.constant 0 : i32
    %dma_start3A_57 = tpu.memref_slice %arg2[%dma_start3A_55, %dma_start3A_56] : memref<8192x256xf32, #tpu.memory_space<hbm>> -> memref<8192x256xf32, #tpu.memory_space<hbm>>
    tpu.enqueue_indirect_dma source(%dma_start3A_57 : memref<8192x256xf32, #tpu.memory_space<hbm>>) target(%dma_start3A_52 : memref<56x256xf32, #tpu.memory_space<vmem>>) offsets(%dma_start3A_54 : memref<56xi32, #tpu.memory_space<vmem>>) semaphore(%arg7 : memref<!tpu.dma_semaphore, #tpu.memory_space<semaphore_mem>>)
    %dma_wait3A = arith.constant 0 : i32
    %dma_wait3A_58 = arith.constant 0 : i32
    %dma_wait3A_59 = tpu.memref_slice %arg6[%dma_wait3A, %dma_wait3A_58] : memref<392x256xf32, #tpu.memory_space<vmem>> -> memref<56x256xf32, #tpu.memory_space<vmem>>
    %dma_wait3A_60 = arith.constant 0 : i32
    %dma_wait3A_61 = tpu.memref_slice %arg5[%dma_wait3A_60] : memref<392xi32, #tpu.memory_space<vmem>> -> memref<56xi32, #tpu.memory_space<vmem>>
    %dma_wait3A_62 = arith.constant 0 : i32
    %dma_wait3A_63 = arith.constant 0 : i32
    %dma_wait3A_64 = tpu.memref_slice %arg2[%dma_wait3A_62, %dma_wait3A_63] : memref<8192x256xf32, #tpu.memory_space<hbm>> -> memref<8192x256xf32, #tpu.memory_space<hbm>>
    tpu.wait_indirect_dma semaphore(%arg7 : memref<!tpu.dma_semaphore, #tpu.memory_space<semaphore_mem>>) src(%dma_wait3A_64 : memref<8192x256xf32, #tpu.memory_space<hbm>>) dst(%dma_wait3A_59 : memref<56x256xf32, #tpu.memory_space<vmem>>)
    %dma_wait3A_65 = arith.constant 56 : i32
    %dma_wait3A_66 = arith.constant 0 : i32
    %dma_wait3A_67 = tpu.memref_slice %arg6[%dma_wait3A_65, %dma_wait3A_66] : memref<392x256xf32, #tpu.memory_space<vmem>> -> memref<56x256xf32, #tpu.memory_space<vmem>>
    %dma_wait3A_68 = arith.constant 56 : i32
    %dma_wait3A_69 = tpu.memref_slice %arg5[%dma_wait3A_68] : memref<392xi32, #tpu.memory_space<vmem>> -> memref<56xi32, #tpu.memory_space<vmem>>
    %dma_wait3A_70 = arith.constant 0 : i32
    %dma_wait3A_71 = arith.constant 0 : i32
    %dma_wait3A_72 = tpu.memref_slice %arg2[%dma_wait3A_70, %dma_wait3A_71] : memref<8192x256xf32, #tpu.memory_space<hbm>> -> memref<8192x256xf32, #tpu.memory_space<hbm>>
    tpu.wait_indirect_dma semaphore(%arg7 : memref<!tpu.dma_semaphore, #tpu.memory_space<semaphore_mem>>) src(%dma_wait3A_72 : memref<8192x256xf32, #tpu.memory_space<hbm>>) dst(%dma_wait3A_67 : memref<56x256xf32, #tpu.memory_space<vmem>>)
    %dma_wait3A_73 = arith.constant 112 : i32
    %dma_wait3A_74 = arith.constant 0 : i32
    %dma_wait3A_75 = tpu.memref_slice %arg6[%dma_wait3A_73, %dma_wait3A_74] : memref<392x256xf32, #tpu.memory_space<vmem>> -> memref<56x256xf32, #tpu.memory_space<vmem>>
    %dma_wait3A_76 = arith.constant 112 : i32
    %dma_wait3A_77 = tpu.memref_slice %arg5[%dma_wait3A_76] : memref<392xi32, #tpu.memory_space<vmem>> -> memref<56xi32, #tpu.memory_space<vmem>>
    %dma_wait3A_78 = arith.constant 0 : i32
    %dma_wait3A_79 = arith.constant 0 : i32
    %dma_wait3A_80 = tpu.memref_slice %arg2[%dma_wait3A_78, %dma_wait3A_79] : memref<8192x256xf32, #tpu.memory_space<hbm>> -> memref<8192x256xf32, #tpu.memory_space<hbm>>
    tpu.wait_indirect_dma semaphore(%arg7 : memref<!tpu.dma_semaphore, #tpu.memory_space<semaphore_mem>>) src(%dma_wait3A_80 : memref<8192x256xf32, #tpu.memory_space<hbm>>) dst(%dma_wait3A_75 : memref<56x256xf32, #tpu.memory_space<vmem>>)
    %dma_wait3A_81 = arith.constant 168 : i32
    %dma_wait3A_82 = arith.constant 0 : i32
    %dma_wait3A_83 = tpu.memref_slice %arg6[%dma_wait3A_81, %dma_wait3A_82] : memref<392x256xf32, #tpu.memory_space<vmem>> -> memref<56x256xf32, #tpu.memory_space<vmem>>
    %dma_wait3A_84 = arith.constant 168 : i32
    %dma_wait3A_85 = tpu.memref_slice %arg5[%dma_wait3A_84] : memref<392xi32, #tpu.memory_space<vmem>> -> memref<56xi32, #tpu.memory_space<vmem>>
    %dma_wait3A_86 = arith.constant 0 : i32
    %dma_wait3A_87 = arith.constant 0 : i32
    %dma_wait3A_88 = tpu.memref_slice %arg2[%dma_wait3A_86, %dma_wait3A_87] : memref<8192x256xf32, #tpu.memory_space<hbm>> -> memref<8192x256xf32, #tpu.memory_space<hbm>>
    tpu.wait_indirect_dma semaphore(%arg7 : memref<!tpu.dma_semaphore, #tpu.memory_space<semaphore_mem>>) src(%dma_wait3A_88 : memref<8192x256xf32, #tpu.memory_space<hbm>>) dst(%dma_wait3A_83 : memref<56x256xf32, #tpu.memory_space<vmem>>)
    %dma_wait3A_89 = arith.constant 224 : i32
    %dma_wait3A_90 = arith.constant 0 : i32
    %dma_wait3A_91 = tpu.memref_slice %arg6[%dma_wait3A_89, %dma_wait3A_90] : memref<392x256xf32, #tpu.memory_space<vmem>> -> memref<56x256xf32, #tpu.memory_space<vmem>>
    %dma_wait3A_92 = arith.constant 224 : i32
    %dma_wait3A_93 = tpu.memref_slice %arg5[%dma_wait3A_92] : memref<392xi32, #tpu.memory_space<vmem>> -> memref<56xi32, #tpu.memory_space<vmem>>
    %dma_wait3A_94 = arith.constant 0 : i32
    %dma_wait3A_95 = arith.constant 0 : i32
    %dma_wait3A_96 = tpu.memref_slice %arg2[%dma_wait3A_94, %dma_wait3A_95] : memref<8192x256xf32, #tpu.memory_space<hbm>> -> memref<8192x256xf32, #tpu.memory_space<hbm>>
    tpu.wait_indirect_dma semaphore(%arg7 : memref<!tpu.dma_semaphore, #tpu.memory_space<semaphore_mem>>) src(%dma_wait3A_96 : memref<8192x256xf32, #tpu.memory_space<hbm>>) dst(%dma_wait3A_91 : memref<56x256xf32, #tpu.memory_space<vmem>>)
    %dma_wait3A_97 = arith.constant 280 : i32
    %dma_wait3A_98 = arith.constant 0 : i32
    %dma_wait3A_99 = tpu.memref_slice %arg6[%dma_wait3A_97, %dma_wait3A_98] : memref<392x256xf32, #tpu.memory_space<vmem>> -> memref<56x256xf32, #tpu.memory_space<vmem>>
    %dma_wait3A_100 = arith.constant 280 : i32
    %dma_wait3A_101 = tpu.memref_slice %arg5[%dma_wait3A_100] : memref<392xi32, #tpu.memory_space<vmem>> -> memref<56xi32, #tpu.memory_space<vmem>>
    %dma_wait3A_102 = arith.constant 0 : i32
    %dma_wait3A_103 = arith.constant 0 : i32
    %dma_wait3A_104 = tpu.memref_slice %arg2[%dma_wait3A_102, %dma_wait3A_103] : memref<8192x256xf32, #tpu.memory_space<hbm>> -> memref<8192x256xf32, #tpu.memory_space<hbm>>
    tpu.wait_indirect_dma semaphore(%arg7 : memref<!tpu.dma_semaphore, #tpu.memory_space<semaphore_mem>>) src(%dma_wait3A_104 : memref<8192x256xf32, #tpu.memory_space<hbm>>) dst(%dma_wait3A_99 : memref<56x256xf32, #tpu.memory_space<vmem>>)
    %dma_wait3A_105 = arith.constant 336 : i32
    %dma_wait3A_106 = arith.constant 0 : i32
    %dma_wait3A_107 = tpu.memref_slice %arg6[%dma_wait3A_105, %dma_wait3A_106] : memref<392x256xf32, #tpu.memory_space<vmem>> -> memref<56x256xf32, #tpu.memory_space<vmem>>
    %dma_wait3A_108 = arith.constant 336 : i32
    %dma_wait3A_109 = tpu.memref_slice %arg5[%dma_wait3A_108] : memref<392xi32, #tpu.memory_space<vmem>> -> memref<56xi32, #tpu.memory_space<vmem>>
    %dma_wait3A_110 = arith.constant 0 : i32
    %dma_wait3A_111 = arith.constant 0 : i32
    %dma_wait3A_112 = tpu.memref_slice %arg2[%dma_wait3A_110, %dma_wait3A_111] : memref<8192x256xf32, #tpu.memory_space<hbm>> -> memref<8192x256xf32, #tpu.memory_space<hbm>>
    tpu.wait_indirect_dma semaphore(%arg7 : memref<!tpu.dma_semaphore, #tpu.memory_space<semaphore_mem>>) src(%dma_wait3A_112 : memref<8192x256xf32, #tpu.memory_space<hbm>>) dst(%dma_wait3A_107 : memref<56x256xf32, #tpu.memory_space<vmem>>)
    "tpu.region"() ({
      %run_scoped3A = tpu.sem_alloc : memref<!tpu.dma_semaphore, #tpu.memory_space<semaphore_mem>>
      %dma_start3A_113 = arith.constant 0 : i32
      %dma_start3A_114 = tpu.memref_slice %arg4[%mul3A_2, %dma_start3A_113] : memref<12544x256xf32, #tpu.memory_space<hbm>> -> memref<392x256xf32, #tpu.memory_space<hbm>>
      %dma_start3A_115 = arith.constant 0 : i32
      %dma_start3A_116 = tpu.memref_slice %arg4[%mul3A_2, %dma_start3A_115] : memref<12544x256xf32, #tpu.memory_space<hbm>> -> memref<392x256xf32, #tpu.memory_space<hbm>>
      tpu.enqueue_dma source(%arg6 : memref<392x256xf32, #tpu.memory_space<vmem>>) target(%dma_start3A_116 : memref<392x256xf32, #tpu.memory_space<hbm>>) target_semaphore(%run_scoped3A : memref<!tpu.dma_semaphore, #tpu.memory_space<semaphore_mem>>)
      %dma_wait3A_117 = arith.constant 0 : i32
      %dma_wait3A_118 = tpu.memref_slice %arg4[%mul3A_2, %dma_wait3A_117] : memref<12544x256xf32, #tpu.memory_space<hbm>> -> memref<392x256xf32, #tpu.memory_space<hbm>>
      %dma_wait3A_119 = arith.constant 0 : i32
      %dma_wait3A_120 = tpu.memref_slice %arg4[%mul3A_2, %dma_wait3A_119] : memref<12544x256xf32, #tpu.memory_space<hbm>> -> memref<392x256xf32, #tpu.memory_space<hbm>>
      tpu.wait_dma2 semaphore(%run_scoped3A : memref<!tpu.dma_semaphore, #tpu.memory_space<semaphore_mem>>) src(%arg6 : memref<392x256xf32, #tpu.memory_space<vmem>>) dst(%dma_wait3A_120 : memref<392x256xf32, #tpu.memory_space<hbm>>)
      tpu.yield
    }) : () -> ()
    return
  }
}

module attributes {stable_mosaic.version = 14 : i64} {
  func.func @_dist_argmin_body(%arg0: i32, %arg1: memref<256x256xf32, #tpu.memory_space<vmem>>, %arg2: memref<8192x256xf32, #tpu.memory_space<vmem>>, %arg3: memref<1x1x256xi32, #tpu.memory_space<vmem>>, %arg4: memref<1x1xf32, #tpu.memory_space<smem>>) attributes {dimension_semantics = [#tpu.dimension_semantics<arbitrary>], iteration_bounds = array<i64: 49>, scalar_prefetch = 0 : i64, scratch_operands = 0 : i64, tpu.core_type = #tpu.core_type<tc>, window_params = [{transform_indices = @transform_0, window_bounds = array<i64: 256, 256>}, {pipeline_mode = #tpu.pipeline_mode<synchronous>, transform_indices = @transform_1, window_bounds = array<i64: 8192, 256>}, {transform_indices = @transform_2, window_bounds = array<i64: 1, 1, 256>}, {transform_indices = @transform_3, window_bounds = array<i64: 1, 1>}]} {
    %get3A = arith.constant 0 : index
    %get3A_0 = arith.constant 0 : index
    %get3A_1 = vector.load %arg1[%get3A, %get3A_0] : memref<256x256xf32, #tpu.memory_space<vmem>>, vector<256x256xf32>
    %get3A_2 = arith.constant 0 : index
    %get3A_3 = arith.constant 0 : index
    %get3A_4 = vector.load %arg2[%get3A_2, %get3A_3] : memref<8192x256xf32, #tpu.memory_space<vmem>>, vector<8192x256xf32>
    %mul3A = arith.mulf %get3A_1, %get3A_1 : vector<256x256xf32>
    %reduce_sum3A = arith.constant dense<0.000000e+00> : vector<256xf32>
    %reduce_sum3A_5 = vector.multi_reduction <add>, %mul3A, %reduce_sum3A [1] : vector<256x256xf32> to vector<256xf32>
    %broadcast_in_dim3A = vector.shape_cast %reduce_sum3A_5 : vector<256xf32> to vector<256x1xf32>
    %mul3A_6 = arith.mulf %get3A_4, %get3A_4 : vector<8192x256xf32>
    %reduce_sum3A_7 = arith.constant dense<0.000000e+00> : vector<8192xf32>
    %reduce_sum3A_8 = vector.multi_reduction <add>, %mul3A_6, %reduce_sum3A_7 [1] : vector<8192x256xf32> to vector<8192xf32>
    %dot_general3A = arith.constant dense<0.000000e+00> : vector<256x8192xf32>
    %dot_general3A_9 = tpu.matmul %get3A_1, %get3A_4, %dot_general3A {dimension_numbers = #tpu.dot_dimension_numbers<[1], [1], [0], [0], [0, 0, 1, 0], [], []>, transpose_lhs_hint = false} : vector<256x256xf32>, vector<8192x256xf32>, vector<256x8192xf32> -> vector<256x8192xf32>
    %broadcast_in_dim3A_10 = vector.shape_cast %reduce_sum3A_8 : vector<8192xf32> to vector<1x8192xf32>
    %add3A = vector.broadcast %broadcast_in_dim3A : vector<256x1xf32> to vector<256x8192xf32>
    %add3A_11 = vector.broadcast %broadcast_in_dim3A_10 : vector<1x8192xf32> to vector<256x8192xf32>
    %add3A_12 = arith.addf %add3A, %add3A_11 : vector<256x8192xf32>
    %mul3A_13 = arith.constant 2.000000e+00 : f32
    %mul3A_14 = vector.broadcast %mul3A_13 : f32 to vector<256x8192xf32>
    %mul3A_15 = arith.mulf %mul3A_14, %dot_general3A_9 : vector<256x8192xf32>
    %sub3A = arith.subf %add3A_12, %mul3A_15 : vector<256x8192xf32>
    %slice3A = vector.extract_strided_slice %sub3A {offsets = [0, 0], sizes = [256, 4096], strides = [1, 1]} : vector<256x8192xf32> to vector<256x4096xf32>
    %reduce_min3A = arith.constant dense<0x7F800000> : vector<256xf32>
    %reduce_min3A_16 = vector.multi_reduction <minimumf>, %slice3A, %reduce_min3A [1] : vector<256x4096xf32> to vector<256xf32>
    %iota3A = tpu.iota {dimensions = array<i32: 1>} : vector<256x4096xi32>
    %broadcast_in_dim3A_17 = vector.shape_cast %reduce_min3A_16 : vector<256xf32> to vector<256x1xf32>
    %eq3A = vector.broadcast %broadcast_in_dim3A_17 : vector<256x1xf32> to vector<256x4096xf32>
    %eq3A_18 = arith.cmpf oeq, %slice3A, %eq3A : vector<256x4096xf32>
    %jit3A = arith.constant 8192 : i32
    %broadcast_in_dim3A_19 = vector.broadcast %jit3A : i32 to vector<256x4096xi32>
    %select_n3A = arith.select %eq3A_18, %iota3A, %broadcast_in_dim3A_19 : vector<256x4096xi1>, vector<256x4096xi32>
    %reduce_min3A_20 = arith.constant dense<2147483647> : vector<256xi32>
    %reduce_min3A_21 = vector.multi_reduction <minsi>, %select_n3A, %reduce_min3A_20 [1] : vector<256x4096xi32> to vector<256xi32>
    %slice3A_22 = vector.extract_strided_slice %sub3A {offsets = [0, 4096], sizes = [256, 4096], strides = [1, 1]} : vector<256x8192xf32> to vector<256x4096xf32>
    %reduce_min3A_23 = arith.constant dense<0x7F800000> : vector<256xf32>
    %reduce_min3A_24 = vector.multi_reduction <minimumf>, %slice3A_22, %reduce_min3A_23 [1] : vector<256x4096xf32> to vector<256xf32>
    %iota3A_25 = tpu.iota {dimensions = array<i32: 1>} : vector<256x4096xi32>
    %broadcast_in_dim3A_26 = vector.shape_cast %reduce_min3A_24 : vector<256xf32> to vector<256x1xf32>
    %eq3A_27 = vector.broadcast %broadcast_in_dim3A_26 : vector<256x1xf32> to vector<256x4096xf32>
    %eq3A_28 = arith.cmpf oeq, %slice3A_22, %eq3A_27 : vector<256x4096xf32>
    %jit3A_29 = arith.constant 8192 : i32
    %broadcast_in_dim3A_30 = vector.broadcast %jit3A_29 : i32 to vector<256x4096xi32>
    %select_n3A_31 = arith.select %eq3A_28, %iota3A_25, %broadcast_in_dim3A_30 : vector<256x4096xi1>, vector<256x4096xi32>
    %reduce_min3A_32 = arith.constant dense<2147483647> : vector<256xi32>
    %reduce_min3A_33 = vector.multi_reduction <minsi>, %select_n3A_31, %reduce_min3A_32 [1] : vector<256x4096xi32> to vector<256xi32>
    %convert_element_type3A = arith.truncf %reduce_min3A_16 : vector<256xf32> to vector<256xbf16>
    %convert_element_type3A_34 = arith.extf %convert_element_type3A : vector<256xbf16> to vector<256xf32>
    %le3A = arith.cmpf ole, %convert_element_type3A_34, %reduce_min3A_24 : vector<256xf32>
    %add3A_35 = arith.constant 4096 : i32
    %add3A_36 = vector.broadcast %add3A_35 : i32 to vector<256xi32>
    %add3A_37 = arith.addi %reduce_min3A_33, %add3A_36 : vector<256xi32>
    %select_n3A_38 = arith.select %le3A, %reduce_min3A_21, %add3A_37 : vector<256xi1>, vector<256xi32>
    %swap3A = arith.constant 0 : index
    %swap3A_39 = arith.constant 0 : index
    %swap3A_40 = arith.constant 0 : index
    %swap3A_41 = vector.load %arg3[%swap3A, %swap3A_39, %swap3A_40] : memref<1x1x256xi32, #tpu.memory_space<vmem>>, vector<1x1x256xi32>
    %swap3A_42 = vector.shape_cast %swap3A_41 : vector<1x1x256xi32> to vector<256xi32>
    %swap3A_43 = vector.shape_cast %select_n3A_38 : vector<256xi32> to vector<1x1x256xi32>
    tpu.vector_store %arg3[%swap3A, %swap3A_39, %swap3A_40], %swap3A_43 {strides = array<i32>} : memref<1x1x256xi32, #tpu.memory_space<vmem>>, vector<1x1x256xi32>,
    %eq3A_44 = arith.constant 0 : i32
    %eq3A_45 = arith.cmpi eq, %arg0, %eq3A_44 : i32
    %convert_element_type3A_46 = arith.extui %eq3A_45 : i1 to i32
    %cond3A = arith.constant 0 : i32
    %cond3A_47 = arith.cmpi ne, %convert_element_type3A_46, %cond3A : i32
    scf.if %cond3A_47 {
      %swap3A_63 = arith.constant 0.000000e+00 : f32
      %swap3A_64 = arith.constant 0 : index
      %swap3A_65 = arith.constant 0 : index
      %swap3A_66 = memref.load %arg4[%swap3A_64, %swap3A_65] : memref<1x1xf32, #tpu.memory_space<smem>>
      memref.store %swap3A_63, %arg4[%swap3A_64, %swap3A_65] : memref<1x1xf32, #tpu.memory_space<smem>>
    } else {
    }
    %select_n3A_48 = arith.select %le3A, %reduce_min3A_16, %reduce_min3A_24 : vector<256xi1>, vector<256xf32>
    %get3A_49 = arith.constant 0 : index
    %get3A_50 = arith.constant 0 : index
    %get3A_51 = memref.load %arg4[%get3A_49, %get3A_50] : memref<1x1xf32, #tpu.memory_space<smem>>
    %reduce_sum3A_52 = vector.shape_cast %select_n3A_48 : vector<256xf32> to vector<1x256xf32>
    %reduce_sum3A_53 = arith.constant dense<0.000000e+00> : vector<1xf32>
    %reduce_sum3A_54 = vector.multi_reduction <add>, %reduce_sum3A_52, %reduce_sum3A_53 [1] : vector<1x256xf32> to vector<1xf32>
    %reduce_sum3A_55 = vector.shape_cast %reduce_sum3A_54 : vector<1xf32> to vector<1x1xf32>
    %reduce_sum3A_56 = vector.extract %reduce_sum3A_55[0, 0] : f32 from vector<1x1xf32>
    %mul3A_57 = arith.constant 3.89254836E-7 : f32
    %mul3A_58 = arith.mulf %reduce_sum3A_56, %mul3A_57 : f32
    %add3A_59 = arith.addf %get3A_51, %mul3A_58 : f32
    %swap3A_60 = arith.constant 0 : index
    %swap3A_61 = arith.constant 0 : index
    %swap3A_62 = memref.load %arg4[%swap3A_60, %swap3A_61] : memref<1x1xf32, #tpu.memory_space<smem>>
    memref.store %add3A_59, %arg4[%swap3A_60, %swap3A_61] : memref<1x1xf32, #tpu.memory_space<smem>>
    return
  }
  func.func @transform_0(%arg0: i32) -> (i32, i32) {
    %c0_i32 = arith.constant 0 : i32
    %c0_i32_0 = arith.constant 0 : i32
    return %arg0, %c0_i32 : i32, i32
  }
  func.func @transform_1(%arg0: i32) -> (i32, i32) {
    %c0_i32 = arith.constant 0 : i32
    %c0_i32_0 = arith.constant 0 : i32
    %c0_i32_1 = arith.constant 0 : i32
    return %c0_i32, %c0_i32_0 : i32, i32
  }
  func.func @transform_2(%arg0: i32) -> (i32, i32, i32) {
    %c0_i32 = arith.constant 0 : i32
    %c0_i32_0 = arith.constant 0 : i32
    %c0_i32_1 = arith.constant 0 : i32
    return %arg0, %c0_i32, %c0_i32_0 : i32, i32, i32
  }
  func.func @transform_3(%arg0: i32) -> (i32, i32) {
    %c0_i32 = arith.constant 0 : i32
    %c0_i32_0 = arith.constant 0 : i32
    %c0_i32_1 = arith.constant 0 : i32
    return %c0_i32, %c0_i32_0 : i32, i32
  }
}

</mosaic_0001>

<sc_bundles>
// kernel: kernel.4.cloned.1.call-start
scs
__scs_entry_jumppad:
0x0: {  	(pc) =	sbr.rel $0x88, $3  }
0x1: {  	(tag) =	ssettag $0x0;
	lr =	simm.s32 $0x1  }
0x2: {  	[smem:$0x3F9E] =	sst lr;
	_ =	strace $0xD0000000  }
0x3: {  	_ = 	snop  }
0x4: {  	_ = 	snop  }
0x5: {  	_ = 	snop  }
0x6: {  	_ = 	snop  }
0x7: {  	_ = 	snop  }
__scs_overlays_trampoline_lowered:
0x8: {  	[smem:$0x3FAD] =	sst s0  }
0x9: {  	[smem:$0x3FAE] =	sst s1  }
0xa: {  	[smem:$0x3FAF] =	sst s2  }
0xb: {  	[smem:$0x3FB0] =	sst s3  }
0xc: {  	[smem:$0x3FB1] =	sst s4  }
0xd: {  	[smem:$0x3FB2] =	sst s5  }
0xe: {  	[smem:$0x3FB3] =	sst s6  }
0xf: {  	[smem:$0x3FB4] =	sst s7  }
0x10: {  	[smem:$0x3FB5] =	sst s8  }
0x11: {  	[smem:$0x3FB6] =	sst s9;
	s0 =	simm.s32 @!p0 $0x0  }
0x12: {  	s1 =	sld [smem:$0x3F9C];
	s0 =	simm.s32 @p0 $0x1  }
0x13: {  	[smem:$0x3FB7] =	sst s0;
	s0 =	simm.s32 @!p1 $0x0  }
0x14: {  	s2 =	sld [smem:$0x3F9B];
	s0 =	simm.s32 @p1 $0x1  }
0x15: {  	[smem:$0x3FB8] =	sst s0;
	s0 =	simm.s32 @!p2 $0x0  }
0x16: {  	s3 =	sld [smem:$0x3FDB];
	s0 =	simm.s32 @p2 $0x1  }
0x17: {  	s4 =	simm.s32 $0x1BF5;
	[smem:$0x3FBA] =	sst s0  }
0x18: {  	s0 =	sld [smem:$0x3F9D];
	_ =	swait.ge [sflag:s4], $0x0  }
0x19: {  	s7 =	sld [smem:$0x3F9E]  }
0x1a: {  	s8 =	sadd.s32 $0xFFFFE003, lr  }
0x1b: {  	s9 =	sadd.s32 $0xFFFFFEF7, lr;
	s5 =	simm.s32 $0xFFFFFFFF;
	p2 =	slt.u32 s8, $0xFFFFF086  }
0x1c: {  	p1 =	slt.u32 s9, $0xF7A;
	s5 =	simm.s32 @!p2 $0x0  }
0x1d: {  	s5 =	simm.s32 @p1 $0x1;
	p0 =	seq.s32 s7, s2  }
0x1e: {  	s7 =	smul.u32 @!p0 $0xF7A, s2;
	p2 =	seq.s32 @!p0 s5, $0x0  }
0x1f: {  	s9 =	smul.u32 $0xF7A, s1;
	s8 =	simm.s32 @!p0 $0x1BF5;
	p2 =	por !p2, p0  }
0x20: {  	[sflag:s8] =	ssyncset.s32 @!p0 $0xFFFFF086;
	s6 =	sadd.s32 @!p0 s3, s7;
	s7 =	simm.s32 @!p0 $0x108  }
0x21: {  	s3 =	sadd.s32 s3, s9;
	s6 =	sadd.s32 @!p0 $0x88, s6;
	s7 =	simm.s32 @p2 $0x1082  }
0x22: {  	[simem:s7], [sflag:s8] =	dma.local @!p0 [hbm:s6], $0xF7A  }
0x23: {  	s9 =	sor.u32 $0xD0000000, s2;
	s6 =	simm.s32 $0x108;
	_ =	swait.ge @!p0 [sflag:s8], $0x0  }
0x24: {  	s3 =	sadd.s32 $0x88, s3;
	s6 =	simm.s32 @!p1 $0x1082;
	[sflag:s4] =	ssyncset.s32 $0xFFFFF086  }
0x25: {  	[simem:s6], [sflag:s4] =	dma.local [hbm:s3], $0xF7A  }
0x26: {  	[smem:$0x3F9E] =	sst s1;
	(tag) =	ssettag s2;
	_ =	strace s9  }
0x27: {  	s1 =	sld [smem:$0x3FAE]  }
0x28: {  	s2 =	sld [smem:$0x3FAF]  }
0x29: {  	s4 =	sld [smem:$0x3FB1]  }
0x2a: {  	p0 =	seq.s32 s5, $0x0;
	s5 =	sld [smem:$0x3FB2]  }
0x2b: {  	s6 =	sld [smem:$0x3FB3]  }
0x2c: {  	s7 =	sld [smem:$0x3FB4]  }
0x2d: {  	s3 =	simm.s32 $0x108;
	s8 =	sld [smem:$0x3FB5]  }
0x2e: {  	s3 =	simm.s32 @!p0 $0x1082;
	s9 =	sld [smem:$0x3FB6]  }
0x2f: {  	lr =	sadd.s32 s0, s3;
	s0 =	sld [smem:$0x3FAD]  }
0x30: {  	s3 =	sld [smem:$0x3FB0]  }
0x31: {  	[smem:$0x3FB9] =	sst s10  }
0x32: {  	s10 =	sld [smem:$0x3FB7];
	_ =	sdelay $0x3  }
0x33: {  	p0 =	seq.s32 s10, $0x1;
	s10 =	sld [smem:$0x3FB9];
	_ =	sdelay $0x3  }
0x34: {  	[smem:$0x3FB9] =	sst s10  }
0x35: {  	s10 =	sld [smem:$0x3FB8];
	_ =	sdelay $0x3  }
0x36: {  	p1 =	seq.s32 s10, $0x1;
	s10 =	sld [smem:$0x3FB9];
	_ =	sdelay $0x3  }
0x37: {  	[smem:$0x3FB9] =	sst s10  }
0x38: {  	s10 =	sld [smem:$0x3FBA]  }
0x39: {  	_ = 	snop;
	(pc) =	sbr.ind lr, $3  }
0x3a: {  	_ = 	snop  }
0x3b: {  	_ = 	snop  }
0x3c: {  	p2 =	seq.s32 s10, $0x1;
	s10 =	sld [smem:$0x3FB9]  }
0x3d: {  	_ =	shalt  }
0x3e: {  	_ =	shalt  }
0x3f: {  	_ =	shalt  }
0x40: {  	_ =	shalt  }
0x41: {  	_ =	shalt  }
0x42: {  	_ =	shalt  }
0x43: {  	_ =	shalt  }
0x44: {  	_ =	shalt  }
0x45: {  	_ =	shalt  }
0x46: {  	_ =	shalt  }
0x47: {  	_ =	shalt  }
0x48: {  	_ =	shalt  }
0x49: {  	_ =	shalt  }
0x4a: {  	_ =	shalt  }
0x4b: {  	_ =	shalt  }
0x4c: {  	_ =	shalt  }
0x4d: {  	_ =	shalt  }
0x4e: {  	_ =	shalt  }
0x4f: {  	_ =	shalt  }
0x50: {  	_ =	shalt  }
0x51: {  	_ =	shalt  }
0x52: {  	_ =	shalt  }
0x53: {  	_ =	shalt  }
0x54: {  	_ =	shalt  }
0x55: {  	_ =	shalt  }
0x56: {  	_ =	shalt  }
0x57: {  	_ =	shalt  }
0x58: {  	_ =	shalt  }
0x59: {  	_ =	shalt  }
0x5a: {  	_ =	shalt  }
0x5b: {  	_ =	shalt  }
0x5c: {  	_ =	shalt  }
0x5d: {  	_ =	shalt  }
0x5e: {  	_ =	shalt  }
0x5f: {  	_ =	shalt  }
0x60: {  	_ =	shalt  }
0x61: {  	_ =	shalt  }
0x62: {  	_ =	shalt  }
0x63: {  	_ =	shalt  }
0x64: {  	_ =	shalt  }
0x65: {  	_ =	shalt  }
0x66: {  	_ =	shalt  }
0x67: {  	_ =	shalt  }
0x68: {  	_ =	shalt  }
0x69: {  	_ =	shalt  }
0x6a: {  	_ =	shalt  }
0x6b: {  	_ =	shalt  }
0x6c: {  	_ =	shalt  }
0x6d: {  	_ =	shalt  }
0x6e: {  	_ =	shalt  }
0x6f: {  	_ =	shalt  }
0x70: {  	_ =	shalt  }
0x71: {  	_ =	shalt  }
0x72: {  	_ =	shalt  }
0x73: {  	_ =	shalt  }
0x74: {  	_ =	shalt  }
0x75: {  	_ =	shalt  }
0x76: {  	_ =	shalt  }
0x77: {  	_ =	shalt  }
0x78: {  	_ =	shalt  }
0x79: {  	_ =	shalt  }
0x7a: {  	_ =	shalt  }
0x7b: {  	_ =	shalt  }
0x7c: {  	_ =	shalt  }
0x7d: {  	_ =	shalt  }
0x7e: {  	_ =	shalt  }
0x7f: {  	_ =	shalt  }
0x80: {  	_ =	shalt  }
0x81: {  	_ =	shalt  }
0x82: {  	_ =	shalt  }
0x83: {  	_ =	shalt  }
0x84: {  	_ =	shalt  }
0x85: {  	_ =	shalt  }
0x86: {  	_ =	shalt  }
0x87: {  	_ =	shalt  }
.Lfunc_end0:
.L_simem_size_0:
called_computation_lowered:
.L_overlay_start_0:
0x88: {  	s2 =	sld [smem:$0x3FD9]  }
0x89: {  	s3 =	sld [smem:$0x3FFE];
	_ =	sdelay $0x1  }
0x8a: {  	s1 =	srdreg.scid  }
0x8b: {  	s0 =	sand.u32 $0x1, s1  }
0x8c: {  	s15 =	sshll.u32 s0, $0xA;
	s2 =	sadd.s32 s3, s2  }
0x8d: {  	s2 =	sadd.s32 s2, s15  }
0x8e: {  	[smem:$0x3FC5] =	sst s2  }
0x8f: {  	_ = 	snop  }
0x90: {  	s2 =	sld [smem:$0x3FD0];
	_ =	sdelay $0x2  }
0x91: {  	s4 =	simm.s32 $0xA;
	s5 =	simm.s32 $0x10;
	s16 =	sld [smem:$0x3FC7]  }
0x92: {  	[smem:s5], [sflag:s4] =	dma.local [hbm:s2], $0x1  }
0x93: {  	_ =	swait.eq [sflag:s4], $0x1  }
0x94: {  	[sflag:s4] =	ssyncset.done $0x0  }
0x95: {  	s17 =	sld [smem:$0x10];
	[sflag:s4] =	ssyncadd.s32 $0xFFFFFFFF  }
0x96: {  	s18 =	sld [smem:$0x11];
	(tm) =	ssettm $0x1  }
0x97: {  	s19 =	sld [smem:$0x3FFB];
	_ =	sdelay $0x3  }
0x98: {  	_ =	strace s19  }
0x99: {  	s5 =	sld [smem:$0x3FFC];
	_ =	sdelay $0x3  }
0x9a: {  	_ =	strace s5  }
0x9b: {  	s5 =	sld [smem:$0x3FFD];
	_ =	sdelay $0x3  }
0x9c: {  	_ =	strace s5  }
0x9d: {  	_ =	strace $0x8FFFFFFF  }
0x9e: {  	s20 =	sld [smem:$0x3FDB];
	_ =	sdelay $0x1  }
0x9f: {  	s6 =	simm.s32 $_scs_section_size  }
0xa0: {  	s7 =	simm.s32 $_size__tile_overlayer_lowered;
	s8 =	simm.s32 $_tile_overlayer_lowered  }
0xa1: {  	s23 =	simm.s32 $0x1BFF;
	s22 =	sshll.u32 s8, $0x1;
	s5 =	sadd.s32 s6, s20  }
0xa2: {  	s9 =	simm.s32 $0x0;
	s21 =	sshll.u32 s7, $0x1;
	s7 =	sadd.s32 s22, s5  }
0xa3: {  	[timem:s9], [sflag:s23] =	dma.local [hbm:s7], s21  }
0xa4: {  	_ =	swait.ge [sflag:s23], s21  }
0xa5: {  	s6 =	ssub.s32 $0x0, s21;
	[sflag:s23] =	ssyncset.done $0x0  }
0xa6: {  	[sflag:s23] =	ssyncadd.s32 s6;
	_ =	sdelay $0x1  }
0xa7: {  	s24 =	simm.s32 $0x1B8B  }
0xa8: {  	_ =	swait.ge [sflag:s24], $0x1  }
0xa9: {  	[sflag:s24] =	ssyncset.done $0x0  }
0xaa: {  	s25 =	simm.s32 $0x1B8E;
	[sflag:s24] =	ssyncadd.s32 $0xFFFFFFFF  }
0xab: {  	s26 =	simm.s32 $execute0_lowered;
	[smem:$0x3FD2] =	sst s25  }
0xac: {  	s6 =	sshll.u32 s26, $0x1;
	_ =	strace $0x80000046;
	[dreg:$0x1] =	wrdreg $0xFFFFFFFF  }
0xad: {  	s28 =	simm.s32 $_size_execute0_lowered;
	s5 =	sadd.s32 s5, s6;
	[dreg:$0x0] =	wrdreg $0x0  }
0xae: {  	s6 =	sshll.u32 s28, $0x1;
	[dreg:$0x2] =	wrdreg s5  }
0xaf: {  	[dreg:$0x3] =	wrdreg s6  }
0xb0: {  	[dreg:$0x4] =	wrdreg $0xC0  }
0xb1: {  	_ =	task [dreg:s9], $0x5FFFF  }
0xb2: {  	[dreg:$0x1] =	wrdreg $0xFFFFFFFF  }
0xb3: {  	[dreg:$0x0] =	wrdreg $0x60  }
0xb4: {  	[dreg:$0x2] =	wrdreg s16  }
0xb5: {  	[dreg:$0x3] =	wrdreg s18  }
0xb6: {  	[dreg:$0x4] =	wrdreg s17  }
0xb7: {  	[dreg:$0x5] =	wrdreg $0x9  }
0xb8: {  	_ =	task.clear_ibuf [dreg:s9], $0x6FFFF;
	_ =	strace $0x90000046  }
0xb9: {  	s29 =	simm.s32 $0x9;
	_ =	strace $0x80000048  }
0xba: {  	_ =	swait.ge [sflag:s29], $0x1  }
0xbb: {  	[sflag:s29] =	ssyncadd.s32 $0xFFFFFFFF  }
0xbc: {  	_ =	strace $0x90000048  }
0xbd: {  	_ =	sfence  }
0xbe: {  	s30 =	sld [smem:$0x0];
	_ =	sdelay $0x2  }
0xbf: {  	s31 =	sshll.u32 s1, $0xD;
	s1 =	sshrl.u32 s1, $0x2  }
0xc0: {  	s3 =	sand.u32 $0x4000, s31;
	s1 =	sadd.s32 s1, s30  }
0xc1: {  	s0 =	sor.u32 s3, s0;
	s1 =	sshll.u32 s1, $0x11  }
0xc2: {  	s0 =	sor.u32 s1, s0  }
0xc3: {  	s0 =	sadd.s32 $0x8F2B, s0  }
0xc4: {  	[sflag:s0] =	ssyncadd.remote.s32 $0x1  }
0xc5: {  	_ =	sfence.sel $0xFFFF  }
0xc6: {  	[dreg:$0x0] =	wrdreg $0xFFFFFFFF;
	(pc) =	sbr.abs _section_cstart, $3  }
0xc7: {  	[dreg:$0x1] =	wrdreg $0xFFFFFFFF  }
0xc8: {  	_ =	task.clear_ibuf [dreg:s9], $0x2FFFF;
	_ =	strace $0x9FFFFFFF  }
0xc9: {  	(tm) =	ssettm $0x7FFFFFFF  }
tec
execute0_lowered:
.L_overlay_start_1:
0x0: {  	(tag) =	ssettag $0x1  }
0x1: {  	s1 =	rddreg [dreg:$0x0]  }
0x2: {  	s2 =	srdreg.scid;
	s0 =	stileid.u32  }
0x3: {  	s4 =	rddreg [dreg:$0x1];
	s2 =	sand.u32 $0x1, s2;
	s3 =	sshll.u32 s0, $0x1  }
0x4: {  	s5 =	rddreg [dreg:$0x2];
	s6 =	sor.u32 s2, s3;
	s3 =	simm.s32 $0x0  }
0x5: {  	s25 =	simm.s32 $0xA00;
	[smem:$0x7FF] =	sst s3  }
0x6: {  	s26 =	simm.s32 $0x1200;
	_ =	strace $0x80000047;
	[dreg:$0x6] =	wrdreg s25  }
0x7: {  	s0 =	simm.s32 $0x1A00;
	[dreg:$0x7] =	wrdreg s26  }
0x8: {  	s8 =	simm.s32 $0x3A00;
	[dreg:$0x8] =	wrdreg s0  }
0x9: {  	s9 =	simm.s32 $0x4200;
	[dreg:$0xc] =	wrdreg s8  }
0xa: {  	s10 =	simm.s32 $0x4A00;
	[dreg:$0xd] =	wrdreg s9  }
0xb: {  	s11 =	simm.s32 $0x5200;
	[dreg:$0xe] =	wrdreg s10  }
0xc: {  	s12 =	simm.s32 $0x5A00;
	[dreg:$0xf] =	wrdreg s11  }
0xd: {  	s13 =	simm.s32 $0x6200;
	[dreg:$0x10] =	wrdreg s12  }
0xe: {  	s14 =	simm.s32 $0x6A00;
	[dreg:$0x11] =	wrdreg s13  }
0xf: {  	s15 =	simm.s32 $0x7200;
	[dreg:$0x12] =	wrdreg s14  }
0x10: {  	s16 =	simm.s32 $0x7A00;
	s17 =	simm.s32 $0x8200;
	[dreg:$0x13] =	wrdreg s15  }
0x11: {  	s18 =	simm.s32 $0x8A00;
	s19 =	simm.s32 $0x9200;
	[dreg:$0x14] =	wrdreg s16  }
0x12: {  	s20 =	simm.s32 $0x9A00;
	s21 =	simm.s32 $0xA200;
	[dreg:$0x15] =	wrdreg s17  }
0x13: {  	s23 =	simm.s32 $0xAA00;
	s28 =	simm.s32 $0x16A00;
	[dreg:$0x16] =	wrdreg s18  }
0x14: {  	s29 =	simm.s32 $0x17200;
	s30 =	simm.s32 $0x17A00;
	[dreg:$0x17] =	wrdreg s19  }
0x15: {  	s31 =	simm.s32 $0x18200;
	s2 =	ssub.s32 $0x2, s2;
	[dreg:$0x18] =	wrdreg s20  }
0x16: {  	s7 =	smul.u32 $0x31, s6;
	s22 =	sshrl.u32 s2, $0x1;
	[dreg:$0x19] =	wrdreg s21  }
0x17: {  	s6 =	smul.u32 $0x3100, s6;
	s2 =	ssub.s32 s2, s22;
	[dreg:$0x1a] =	wrdreg s23  }
0x18: {  	s25 =	simm.s32 $0xBA00;
	s26 =	simm.s32 $0xC200;
	s8 =	simm.s32 $0xD200  }
0x19: {  	s9 =	simm.s32 $0xDA00;
	s10 =	simm.s32 $0xE200;
	s11 =	simm.s32 $0xEA00  }
0x1a: {  	s12 =	simm.s32 $0xF200;
	s13 =	simm.s32 $0xFA00;
	s14 =	simm.s32 $0x10200  }
0x1b: {  	s15 =	simm.s32 $0x10A00;
	s16 =	simm.s32 $0x11200;
	s17 =	simm.s32 $0x11A00  }
0x1c: {  	s18 =	simm.s32 $0x12200;
	s19 =	simm.s32 $0x12A00;
	[dreg:$0x1c] =	wrdreg s25  }
0x1d: {  	s20 =	simm.s32 $0x13200;
	s4 =	sadd.s32 s4, s7;
	[dreg:$0x1d] =	wrdreg s26  }
0x1e: {  	s21 =	simm.s32 $0x13A00;
	s24 =	sadd.s32 s5, s6;
	[dreg:$0x4] =	wrdreg s4  }
0x1f: {  	s22 =	simm.s32 $0x14200;
	s5 =	simm.s32 $0x2200;
	[dreg:$0x5] =	wrdreg s24  }
0x20: {  	s23 =	simm.s32 $0x14A00;
	s6 =	simm.s32 $0x2A00;
	[dreg:$0x9] =	wrdreg s5  }
0x21: {  	s7 =	simm.s32 $0x3200;
	s25 =	simm.s32 $0x15A00;
	[dreg:$0xa] =	wrdreg s6  }
0x22: {  	v2 =	vlaneseq.u32;
	s26 =	simm.s32 $0x16200;
	[dreg:$0xb] =	wrdreg s7;
	s24 =	simm.s32 $0xB200  }
0x23: {  	vm0 =	vmmov $0xffff;
	v1 =	vshrl.u32 v2, $0x3;
	s4 =	smax.u32 s2, $0x1;
	s5 =	simm.s32 $0x2;
	s6 =	simm.s32 $0x200  }
0x24: {  	v0 =	vand.u32 $0x7, v2;
	v2 =	vor.u32 $0x8, v2;
	v1 =	vmul.u32 $0x8, v1;
	s2 =	simm.s32 $0x1;
	[dreg:$0x1b] =	wrdreg s24;
	s24 =	simm.s32 $0x15200  }
.LBB2_1:
0x25: {  	s0 =	rddreg [dreg:$0x4]  }
0x26: {  	[tilespmem:s3], [sflag:$0x2] =	stream.linear.gather [hbm4b:s0+s3], $0x188, $0x38;
	[tilespmem:$0x18A00] =	vst v63  }
0x27: {  	_ =	swait.ge [sflag:s5], $0x188  }
0x28: {  	[sflag:s5] =	ssyncset.done $0x0  }
0x29: {  	[sflag:s5] =	ssyncadd.s32 $0xFFFFFE78  }
0x2a: {  	v3 =	vld [tilespmem:$0x0];
	_ =	sdelay $0x4  }
0x2b: {  	v4 =	vshll.u32 v3, $0x1  }
0x2c: {  	v3 =	vand.u32 $0x7, v3;
	v4 =	vand.u32 $0xFFFFFFF0, v4  }
0x2d: {  	v3 =	vor.u32 v3, v4  }
0x2e: {  	v4 =	vperm.xlane v3, v0;
	_ =	sdelay $0x1  }
0x2f: {  	v3 =	vperm.xlane v3, v2;
	v4 =	vadd.s32 v1, v4;
	_ =	sdelay $0x1  }
0x30: {  	v3 =	vadd.s32 v1, v3;
	_ =	sdelay $0x2  }
0x31: {  	[tilespmem:s6], [sflag:$0x1] =	stream.indirect_vreg.gather [hbm4b:s1+s3], $0x80, v4, vm0, $0xb8;
	[tilespmem:$0x18A00] =	vst v63  }
0x32: {  	s7 =	rddreg [dreg:$0x6]  }
0x33: {  	[tilespmem:s7], [sflag:$0x1] =	stream.indirect_vreg.gather [hbm4b:s1+s3], $0x80, v3, vm0, $0xb8;
	[tilespmem:$0x18A00] =	vst v63  }
0x34: {  	v3 =	vld [tilespmem:$0x10];
	_ =	sdelay $0x4  }
0x35: {  	v37 =	vshll.u32 v3, $0x1  }
0x36: {  	v3 =	vand.u32 $0x7, v3;
	v4 =	vand.u32 $0xFFFFFFF0, v37  }
0x37: {  	v3 =	vor.u32 v3, v4  }
0x38: {  	v4 =	vperm.xlane v3, v0;
	_ =	sdelay $0x1  }
0x39: {  	v3 =	vperm.xlane v3, v2;
	v4 =	vadd.s32 v1, v4;
	_ =	sdelay $0x1  }
0x3a: {  	v3 =	vadd.s32 v1, v3;
	_ =	sdelay $0x1  }
0x3b: {  	s0 =	rddreg [dreg:$0x7]  }
0x3c: {  	[tilespmem:s0], [sflag:$0x1] =	stream.indirect_vreg.gather [hbm4b:s1+s3], $0x80, v4, vm0, $0xb8;
	[tilespmem:$0x18A00] =	vst v63  }
0x3d: {  	s7 =	rddreg [dreg:$0x8]  }
0x3e: {  	[tilespmem:s7], [sflag:$0x1] =	stream.indirect_vreg.gather [hbm4b:s1+s3], $0x80, v3, vm0, $0xb8;
	[tilespmem:$0x18A00] =	vst v63  }
0x3f: {  	v3 =	vld [tilespmem:$0x20];
	_ =	sdelay $0x4  }
0x40: {  	v38 =	vshll.u32 v3, $0x1  }
0x41: {  	v3 =	vand.u32 $0x7, v3;
	v4 =	vand.u32 $0xFFFFFFF0, v38  }
0x42: {  	v3 =	vor.u32 v3, v4  }
0x43: {  	v4 =	vperm.xlane v3, v0;
	_ =	sdelay $0x1  }
0x44: {  	v3 =	vperm.xlane v3, v2;
	v4 =	vadd.s32 v1, v4;
	_ =	sdelay $0x1  }
0x45: {  	v3 =	vadd.s32 v1, v3;
	_ =	sdelay $0x1  }
0x46: {  	s0 =	rddreg [dreg:$0x9]  }
0x47: {  	[tilespmem:s0], [sflag:$0x1] =	stream.indirect_vreg.gather [hbm4b:s1+s3], $0x80, v4, vm0, $0xb8;
	[tilespmem:$0x18A00] =	vst v63  }
0x48: {  	s7 =	rddreg [dreg:$0xa]  }
0x49: {  	[tilespmem:s7], [sflag:$0x1] =	stream.indirect_vreg.gather [hbm4b:s1+s3], $0x80, v3, vm0, $0xb8;
	[tilespmem:$0x18A00] =	vst v63  }
0x4a: {  	v3 =	vld.msk [tilespmem:$0x30], $0xff;
	_ =	sdelay $0x4  }
0x4b: {  	v39 =	vshll.u32 v3, $0x1  }
0x4c: {  	v3 =	vand.u32 $0x7, v3;
	v4 =	vand.u32 $0xFFFFFFF0, v39  }
0x4d: {  	v3 =	vor.u32 v3, v4  }
0x4e: {  	v3 =	vperm.xlane v3, v0;
	_ =	sdelay $0x1  }
0x4f: {  	v3 =	vadd.s32 v1, v3;
	_ =	sdelay $0x3  }
0x50: {  	s7 =	rddreg [dreg:$0xb]  }
0x51: {  	[tilespmem:s7], [sflag:$0x1] =	stream.indirect_vreg.gather [hbm4b:s1+s3], $0x80, v3, vm0, $0xb8;
	[tilespmem:$0x18A00] =	vst v63  }
0x52: {  	v3 =	vld [tilespmem:$0x38];
	_ =	sdelay $0x4  }
0x53: {  	v40 =	vshll.u32 v3, $0x1  }
0x54: {  	v3 =	vand.u32 $0x7, v3;
	v4 =	vand.u32 $0xFFFFFFF0, v40  }
0x55: {  	v3 =	vor.u32 v3, v4  }
0x56: {  	v4 =	vperm.xlane v3, v0;
	_ =	sdelay $0x1  }
0x57: {  	v3 =	vperm.xlane v3, v2;
	v4 =	vadd.s32 v1, v4;
	_ =	sdelay $0x1  }
0x58: {  	v3 =	vadd.s32 v1, v3;
	_ =	sdelay $0x1  }
0x59: {  	s0 =	rddreg [dreg:$0xc]  }
0x5a: {  	[tilespmem:s0], [sflag:$0x1] =	stream.indirect_vreg.gather [hbm4b:s1+s3], $0x80, v4, vm0, $0xb8;
	[tilespmem:$0x18A00] =	vst v63  }
0x5b: {  	s7 =	rddreg [dreg:$0xd]  }
0x5c: {  	[tilespmem:s7], [sflag:$0x1] =	stream.indirect_vreg.gather [hbm4b:s1+s3], $0x80, v3, vm0, $0xb8;
	[tilespmem:$0x18A00] =	vst v63  }
0x5d: {  	v3 =	vld [tilespmem:$0x48];
	_ =	sdelay $0x4  }
0x5e: {  	v41 =	vshll.u32 v3, $0x1  }
0x5f: {  	v3 =	vand.u32 $0x7, v3;
	v4 =	vand.u32 $0xFFFFFFF0, v41  }
0x60: {  	v3 =	vor.u32 v3, v4  }
0x61: {  	v4 =	vperm.xlane v3, v0;
	_ =	sdelay $0x1  }
0x62: {  	v3 =	vperm.xlane v3, v2;
	v4 =	vadd.s32 v1, v4;
	_ =	sdelay $0x1  }
0x63: {  	v3 =	vadd.s32 v1, v3;
	_ =	sdelay $0x1  }
0x64: {  	s0 =	rddreg [dreg:$0xe]  }
0x65: {  	[tilespmem:s0], [sflag:$0x1] =	stream.indirect_vreg.gather [hbm4b:s1+s3], $0x80, v4, vm0, $0xb8;
	[tilespmem:$0x18A00] =	vst v63  }
0x66: {  	s7 =	rddreg [dreg:$0xf]  }
0x67: {  	[tilespmem:s7], [sflag:$0x1] =	stream.indirect_vreg.gather [hbm4b:s1+s3], $0x80, v3, vm0, $0xb8;
	[tilespmem:$0x18A00] =	vst v63  }
0x68: {  	v3 =	vld [tilespmem:$0x58];
	_ =	sdelay $0x4  }
0x69: {  	v42 =	vshll.u32 v3, $0x1  }
0x6a: {  	v3 =	vand.u32 $0x7, v3;
	v4 =	vand.u32 $0xFFFFFFF0, v42  }
0x6b: {  	v3 =	vor.u32 v3, v4  }
0x6c: {  	v4 =	vperm.xlane v3, v0;
	_ =	sdelay $0x1  }
0x6d: {  	v3 =	vperm.xlane v3, v2;
	v4 =	vadd.s32 v1, v4;
	_ =	sdelay $0x1  }
0x6e: {  	v3 =	vadd.s32 v1, v3;
	_ =	sdelay $0x1  }
0x6f: {  	s0 =	rddreg [dreg:$0x10]  }
0x70: {  	[tilespmem:s0], [sflag:$0x1] =	stream.indirect_vreg.gather [hbm4b:s1+s3], $0x80, v4, vm0, $0xb8;
	[tilespmem:$0x18A00] =	vst v63  }
0x71: {  	s7 =	rddreg [dreg:$0x11]  }
0x72: {  	[tilespmem:s7], [sflag:$0x1] =	stream.indirect_vreg.gather [hbm4b:s1+s3], $0x80, v3, vm0, $0xb8;
	[tilespmem:$0x18A00] =	vst v63  }
0x73: {  	v3 =	vld.msk [tilespmem:$0x68], $0xff;
	_ =	sdelay $0x4  }
0x74: {  	v43 =	vshll.u32 v3, $0x1  }
0x75: {  	v3 =	vand.u32 $0x7, v3;
	v4 =	vand.u32 $0xFFFFFFF0, v43  }
0x76: {  	v3 =	vor.u32 v3, v4  }
0x77: {  	v3 =	vperm.xlane v3, v0;
	_ =	sdelay $0x1  }
0x78: {  	v3 =	vadd.s32 v1, v3;
	_ =	sdelay $0x3  }
0x79: {  	s7 =	rddreg [dreg:$0x12]  }
0x7a: {  	[tilespmem:s7], [sflag:$0x1] =	stream.indirect_vreg.gather [hbm4b:s1+s3], $0x80, v3, vm0, $0xb8;
	[tilespmem:$0x18A00] =	vst v63  }
0x7b: {  	v3 =	vld [tilespmem:$0x70];
	_ =	sdelay $0x4  }
0x7c: {  	v44 =	vshll.u32 v3, $0x1  }
0x7d: {  	v3 =	vand.u32 $0x7, v3;
	v4 =	vand.u32 $0xFFFFFFF0, v44  }
0x7e: {  	v3 =	vor.u32 v3, v4  }
0x7f: {  	v4 =	vperm.xlane v3, v0;
	_ =	sdelay $0x1  }
0x80: {  	v3 =	vperm.xlane v3, v2;
	v4 =	vadd.s32 v1, v4;
	_ =	sdelay $0x1  }
0x81: {  	v3 =	vadd.s32 v1, v3;
	_ =	sdelay $0x1  }
0x82: {  	s0 =	rddreg [dreg:$0x13]  }
0x83: {  	[tilespmem:s0], [sflag:$0x1] =	stream.indirect_vreg.gather [hbm4b:s1+s3], $0x80, v4, vm0, $0xb8;
	[tilespmem:$0x18A00] =	vst v63  }
0x84: {  	s7 =	rddreg [dreg:$0x14]  }
0x85: {  	[tilespmem:s7], [sflag:$0x1] =	stream.indirect_vreg.gather [hbm4b:s1+s3], $0x80, v3, vm0, $0xb8;
	[tilespmem:$0x18A00] =	vst v63  }
0x86: {  	v3 =	vld [tilespmem:$0x80];
	_ =	sdelay $0x4  }
0x87: {  	v45 =	vshll.u32 v3, $0x1  }
0x88: {  	v3 =	vand.u32 $0x7, v3;
	v4 =	vand.u32 $0xFFFFFFF0, v45  }
0x89: {  	v3 =	vor.u32 v3, v4  }
0x8a: {  	v4 =	vperm.xlane v3, v0;
	_ =	sdelay $0x1  }
0x8b: {  	v3 =	vperm.xlane v3, v2;
	v4 =	vadd.s32 v1, v4;
	_ =	sdelay $0x1  }
0x8c: {  	v3 =	vadd.s32 v1, v3;
	_ =	sdelay $0x1  }
0x8d: {  	s0 =	rddreg [dreg:$0x15]  }
0x8e: {  	[tilespmem:s0], [sflag:$0x1] =	stream.indirect_vreg.gather [hbm4b:s1+s3], $0x80, v4, vm0, $0xb8;
	[tilespmem:$0x18A00] =	vst v63  }
0x8f: {  	s7 =	rddreg [dreg:$0x16]  }
0x90: {  	[tilespmem:s7], [sflag:$0x1] =	stream.indirect_vreg.gather [hbm4b:s1+s3], $0x80, v3, vm0, $0xb8;
	[tilespmem:$0x18A00] =	vst v63  }
0x91: {  	v3 =	vld [tilespmem:$0x90];
	_ =	sdelay $0x4  }
0x92: {  	v46 =	vshll.u32 v3, $0x1  }
0x93: {  	v3 =	vand.u32 $0x7, v3;
	v4 =	vand.u32 $0xFFFFFFF0, v46  }
0x94: {  	v3 =	vor.u32 v3, v4  }
0x95: {  	v4 =	vperm.xlane v3, v0;
	_ =	sdelay $0x1  }
0x96: {  	v3 =	vperm.xlane v3, v2;
	v4 =	vadd.s32 v1, v4;
	_ =	sdelay $0x1  }
0x97: {  	v3 =	vadd.s32 v1, v3;
	_ =	sdelay $0x1  }
0x98: {  	s0 =	rddreg [dreg:$0x17]  }
0x99: {  	[tilespmem:s0], [sflag:$0x1] =	stream.indirect_vreg.gather [hbm4b:s1+s3], $0x80, v4, vm0, $0xb8;
	[tilespmem:$0x18A00] =	vst v63  }
0x9a: {  	s7 =	rddreg [dreg:$0x18]  }
0x9b: {  	[tilespmem:s7], [sflag:$0x1] =	stream.indirect_vreg.gather [hbm4b:s1+s3], $0x80, v3, vm0, $0xb8;
	[tilespmem:$0x18A00] =	vst v63  }
0x9c: {  	v3 =	vld.msk [tilespmem:$0xA0], $0xff;
	_ =	sdelay $0x4  }
0x9d: {  	v47 =	vshll.u32 v3, $0x1  }
0x9e: {  	v3 =	vand.u32 $0x7, v3;
	v4 =	vand.u32 $0xFFFFFFF0, v47  }
0x9f: {  	v3 =	vor.u32 v3, v4  }
0xa0: {  	v3 =	vperm.xlane v3, v0;
	_ =	sdelay $0x1  }
0xa1: {  	v3 =	vadd.s32 v1, v3;
	_ =	sdelay $0x3  }
0xa2: {  	s7 =	rddreg [dreg:$0x19]  }
0xa3: {  	[tilespmem:s7], [sflag:$0x1] =	stream.indirect_vreg.gather [hbm4b:s1+s3], $0x80, v3, vm0, $0xb8;
	[tilespmem:$0x18A00] =	vst v63  }
0xa4: {  	v3 =	vld [tilespmem:$0xA8];
	_ =	sdelay $0x4  }
0xa5: {  	v48 =	vshll.u32 v3, $0x1  }
0xa6: {  	v3 =	vand.u32 $0x7, v3;
	v4 =	vand.u32 $0xFFFFFFF0, v48  }
0xa7: {  	v3 =	vor.u32 v3, v4  }
0xa8: {  	v4 =	vperm.xlane v3, v0;
	_ =	sdelay $0x1  }
0xa9: {  	v3 =	vperm.xlane v3, v2;
	v4 =	vadd.s32 v1, v4;
	_ =	sdelay $0x1  }
0xaa: {  	v3 =	vadd.s32 v1, v3;
	_ =	sdelay $0x1  }
0xab: {  	s0 =	rddreg [dreg:$0x1a]  }
0xac: {  	[tilespmem:s0], [sflag:$0x1] =	stream.indirect_vreg.gather [hbm4b:s1+s3], $0x80, v4, vm0, $0xb8;
	[tilespmem:$0x18A00] =	vst v63  }
0xad: {  	s7 =	rddreg [dreg:$0x1b]  }
0xae: {  	[tilespmem:s7], [sflag:$0x1] =	stream.indirect_vreg.gather [hbm4b:s1+s3], $0x80, v3, vm0, $0xb8;
	[tilespmem:$0x18A00] =	vst v63  }
0xaf: {  	v3 =	vld [tilespmem:$0xB8];
	_ =	sdelay $0x4  }
0xb0: {  	v49 =	vshll.u32 v3, $0x1  }
0xb1: {  	v3 =	vand.u32 $0x7, v3;
	v4 =	vand.u32 $0xFFFFFFF0, v49  }
0xb2: {  	v3 =	vor.u32 v3, v4  }
0xb3: {  	v4 =	vperm.xlane v3, v0;
	_ =	sdelay $0x1  }
0xb4: {  	v3 =	vperm.xlane v3, v2;
	v4 =	vadd.s32 v1, v4;
	_ =	sdelay $0x1  }
0xb5: {  	v3 =	vadd.s32 v1, v3;
	_ =	sdelay $0x1  }
0xb6: {  	s0 =	rddreg [dreg:$0x1c]  }
0xb7: {  	[tilespmem:s0], [sflag:$0x1] =	stream.indirect_vreg.gather [hbm4b:s1+s3], $0x80, v4, vm0, $0xb8;
	[tilespmem:$0x18A00] =	vst v63  }
0xb8: {  	s7 =	rddreg [dreg:$0x1d]  }
0xb9: {  	[tilespmem:s7], [sflag:$0x1] =	stream.indirect_vreg.gather [hbm4b:s1+s3], $0x80, v3, vm0, $0xb8;
	[tilespmem:$0x18A00] =	vst v63  }
0xba: {  	v3 =	vld [tilespmem:$0xC8];
	_ =	sdelay $0x4  }
0xbb: {  	v50 =	vshll.u32 v3, $0x1  }
0xbc: {  	v3 =	vand.u32 $0x7, v3;
	v4 =	vand.u32 $0xFFFFFFF0, v50  }
0xbd: {  	v3 =	vor.u32 v3, v4  }
0xbe: {  	v4 =	vperm.xlane v3, v0;
	_ =	sdelay $0x1  }
0xbf: {  	v3 =	vperm.xlane v3, v2;
	v4 =	vadd.s32 v1, v4;
	_ =	sdelay $0x1  }
0xc0: {  	v3 =	vadd.s32 v1, v3;
	_ =	sdelay $0x1  }
0xc1: {  	s7 =	simm.s32 $0xCA00  }
0xc2: {  	[tilespmem:s7], [sflag:$0x1] =	stream.indirect_vreg.gather [hbm4b:s1+s3], $0x80, v4, vm0, $0xb8;
	[tilespmem:$0x18A00] =	vst v63  }
0xc3: {  	_ = 	snop  }
0xc4: {  	[tilespmem:s8], [sflag:$0x1] =	stream.indirect_vreg.gather [hbm4b:s1+s3], $0x80, v3, vm0, $0xb8;
	[tilespmem:$0x18A00] =	vst v63  }
0xc5: {  	v3 =	vld.msk [tilespmem:$0xD8], $0xff;
	_ =	sdelay $0x4  }
0xc6: {  	v51 =	vshll.u32 v3, $0x1  }
0xc7: {  	v3 =	vand.u32 $0x7, v3;
	v4 =	vand.u32 $0xFFFFFFF0, v51  }
0xc8: {  	v3 =	vor.u32 v3, v4  }
0xc9: {  	v3 =	vperm.xlane v3, v0;
	_ =	sdelay $0x1  }
0xca: {  	v3 =	vadd.s32 v1, v3;
	_ =	sdelay $0x4  }
0xcb: {  	[tilespmem:s9], [sflag:$0x1] =	stream.indirect_vreg.gather [hbm4b:s1+s3], $0x80, v3, vm0, $0xb8;
	[tilespmem:$0x18A00] =	vst v63  }
0xcc: {  	v3 =	vld [tilespmem:$0xE0];
	_ =	sdelay $0x4  }
0xcd: {  	v52 =	vshll.u32 v3, $0x1  }
0xce: {  	v3 =	vand.u32 $0x7, v3;
	v4 =	vand.u32 $0xFFFFFFF0, v52  }
0xcf: {  	v3 =	vor.u32 v3, v4  }
0xd0: {  	v4 =	vperm.xlane v3, v0;
	_ =	sdelay $0x1  }
0xd1: {  	v3 =	vperm.xlane v3, v2;
	v4 =	vadd.s32 v1, v4;
	_ =	sdelay $0x1  }
0xd2: {  	v3 =	vadd.s32 v1, v3;
	_ =	sdelay $0x2  }
0xd3: {  	[tilespmem:s10], [sflag:$0x1] =	stream.indirect_vreg.gather [hbm4b:s1+s3], $0x80, v4, vm0, $0xb8;
	[tilespmem:$0x18A00] =	vst v63  }
0xd4: {  	_ = 	snop  }
0xd5: {  	[tilespmem:s11], [sflag:$0x1] =	stream.indirect_vreg.gather [hbm4b:s1+s3], $0x80, v3, vm0, $0xb8;
	[tilespmem:$0x18A00] =	vst v63  }
0xd6: {  	v3 =	vld [tilespmem:$0xF0];
	_ =	sdelay $0x4  }
0xd7: {  	v53 =	vshll.u32 v3, $0x1  }
0xd8: {  	v3 =	vand.u32 $0x7, v3;
	v4 =	vand.u32 $0xFFFFFFF0, v53  }
0xd9: {  	v3 =	vor.u32 v3, v4  }
0xda: {  	v4 =	vperm.xlane v3, v0;
	_ =	sdelay $0x1  }
0xdb: {  	v3 =	vperm.xlane v3, v2;
	v4 =	vadd.s32 v1, v4;
	_ =	sdelay $0x1  }
0xdc: {  	v3 =	vadd.s32 v1, v3;
	_ =	sdelay $0x2  }
0xdd: {  	[tilespmem:s12], [sflag:$0x1] =	stream.indirect_vreg.gather [hbm4b:s1+s3], $0x80, v4, vm0, $0xb8;
	[tilespmem:$0x18A00] =	vst v63  }
0xde: {  	_ = 	snop  }
0xdf: {  	[tilespmem:s13], [sflag:$0x1] =	stream.indirect_vreg.gather [hbm4b:s1+s3], $0x80, v3, vm0, $0xb8;
	[tilespmem:$0x18A00] =	vst v63  }
0xe0: {  	v3 =	vld [tilespmem:$0x100];
	_ =	sdelay $0x4  }
0xe1: {  	v54 =	vshll.u32 v3, $0x1  }
0xe2: {  	v3 =	vand.u32 $0x7, v3;
	v4 =	vand.u32 $0xFFFFFFF0, v54  }
0xe3: {  	v3 =	vor.u32 v3, v4  }
0xe4: {  	v4 =	vperm.xlane v3, v0;
	_ =	sdelay $0x1  }
0xe5: {  	v3 =	vperm.xlane v3, v2;
	v4 =	vadd.s32 v1, v4;
	_ =	sdelay $0x1  }
0xe6: {  	v3 =	vadd.s32 v1, v3;
	_ =	sdelay $0x2  }
0xe7: {  	[tilespmem:s14], [sflag:$0x1] =	stream.indirect_vreg.gather [hbm4b:s1+s3], $0x80, v4, vm0, $0xb8;
	[tilespmem:$0x18A00] =	vst v63  }
0xe8: {  	_ = 	snop  }
0xe9: {  	[tilespmem:s15], [sflag:$0x1] =	stream.indirect_vreg.gather [hbm4b:s1+s3], $0x80, v3, vm0, $0xb8;
	[tilespmem:$0x18A00] =	vst v63  }
0xea: {  	v3 =	vld.msk [tilespmem:$0x110], $0xff;
	_ =	sdelay $0x4  }
0xeb: {  	v55 =	vshll.u32 v3, $0x1  }
0xec: {  	v3 =	vand.u32 $0x7, v3;
	v4 =	vand.u32 $0xFFFFFFF0, v55  }
0xed: {  	v3 =	vor.u32 v3, v4  }
0xee: {  	v3 =	vperm.xlane v3, v0;
	_ =	sdelay $0x1  }
0xef: {  	v3 =	vadd.s32 v1, v3;
	_ =	sdelay $0x4  }
0xf0: {  	[tilespmem:s16], [sflag:$0x1] =	stream.indirect_vreg.gather [hbm4b:s1+s3], $0x80, v3, vm0, $0xb8;
	[tilespmem:$0x18A00] =	vst v63  }
0xf1: {  	v3 =	vld [tilespmem:$0x118];
	_ =	sdelay $0x4  }
0xf2: {  	v56 =	vshll.u32 v3, $0x1  }
0xf3: {  	v3 =	vand.u32 $0x7, v3;
	v4 =	vand.u32 $0xFFFFFFF0, v56  }
0xf4: {  	v3 =	vor.u32 v3, v4  }
0xf5: {  	v4 =	vperm.xlane v3, v0;
	_ =	sdelay $0x1  }
0xf6: {  	v3 =	vperm.xlane v3, v2;
	v4 =	vadd.s32 v1, v4;
	_ =	sdelay $0x1  }
0xf7: {  	v3 =	vadd.s32 v1, v3;
	_ =	sdelay $0x2  }
0xf8: {  	[tilespmem:s17], [sflag:$0x1] =	stream.indirect_vreg.gather [hbm4b:s1+s3], $0x80, v4, vm0, $0xb8;
	[tilespmem:$0x18A00] =	vst v63  }
0xf9: {  	_ = 	snop  }
0xfa: {  	[tilespmem:s18], [sflag:$0x1] =	stream.indirect_vreg.gather [hbm4b:s1+s3], $0x80, v3, vm0, $0xb8;
	[tilespmem:$0x18A00] =	vst v63  }
0xfb: {  	v3 =	vld [tilespmem:$0x128];
	_ =	sdelay $0x4  }
0xfc: {  	v57 =	vshll.u32 v3, $0x1  }
0xfd: {  	v3 =	vand.u32 $0x7, v3;
	v4 =	vand.u32 $0xFFFFFFF0, v57  }
0xfe: {  	v3 =	vor.u32 v3, v4  }
0xff: {  	v4 =	vperm.xlane v3, v0;
	_ =	sdelay $0x1  }
0x100: {  	v3 =	vperm.xlane v3, v2;
	v4 =	vadd.s32 v1, v4;
	_ =	sdelay $0x1  }
0x101: {  	v3 =	vadd.s32 v1, v3;
	_ =	sdelay $0x2  }
0x102: {  	[tilespmem:s19], [sflag:$0x1] =	stream.indirect_vreg.gather [hbm4b:s1+s3], $0x80, v4, vm0, $0xb8;
	[tilespmem:$0x18A00] =	vst v63  }
0x103: {  	_ = 	snop  }
0x104: {  	[tilespmem:s20], [sflag:$0x1] =	stream.indirect_vreg.gather [hbm4b:s1+s3], $0x80, v3, vm0, $0xb8;
	[tilespmem:$0x18A00] =	vst v63  }
0x105: {  	v3 =	vld [tilespmem:$0x138];
	_ =	sdelay $0x4  }
0x106: {  	v58 =	vshll.u32 v3, $0x1  }
0x107: {  	v3 =	vand.u32 $0x7, v3;
	v4 =	vand.u32 $0xFFFFFFF0, v58  }
0x108: {  	v3 =	vor.u32 v3, v4  }
0x109: {  	v4 =	vperm.xlane v3, v0;
	_ =	sdelay $0x1  }
0x10a: {  	v3 =	vperm.xlane v3, v2;
	v4 =	vadd.s32 v1, v4;
	_ =	sdelay $0x1  }
0x10b: {  	v3 =	vadd.s32 v1, v3;
	_ =	sdelay $0x2  }
0x10c: {  	[tilespmem:s21], [sflag:$0x1] =	stream.indirect_vreg.gather [hbm4b:s1+s3], $0x80, v4, vm0, $0xb8;
	[tilespmem:$0x18A00] =	vst v63  }
0x10d: {  	_ = 	snop  }
0x10e: {  	[tilespmem:s22], [sflag:$0x1] =	stream.indirect_vreg.gather [hbm4b:s1+s3], $0x80, v3, vm0, $0xb8;
	[tilespmem:$0x18A00] =	vst v63  }
0x10f: {  	v3 =	vld.msk [tilespmem:$0x148], $0xff;
	_ =	sdelay $0x4  }
0x110: {  	v59 =	vshll.u32 v3, $0x1  }
0x111: {  	v3 =	vand.u32 $0x7, v3;
	v4 =	vand.u32 $0xFFFFFFF0, v59  }
0x112: {  	v3 =	vor.u32 v3, v4  }
0x113: {  	v3 =	vperm.xlane v3, v0;
	_ =	sdelay $0x1  }
0x114: {  	v3 =	vadd.s32 v1, v3;
	_ =	sdelay $0x4  }
0x115: {  	[tilespmem:s23], [sflag:$0x1] =	stream.indirect_vreg.gather [hbm4b:s1+s3], $0x80, v3, vm0, $0xb8;
	[tilespmem:$0x18A00] =	vst v63  }
0x116: {  	v3 =	vld [tilespmem:$0x150];
	_ =	sdelay $0x4  }
0x117: {  	v60 =	vshll.u32 v3, $0x1  }
0x118: {  	v3 =	vand.u32 $0x7, v3;
	v4 =	vand.u32 $0xFFFFFFF0, v60  }
0x119: {  	v3 =	vor.u32 v3, v4  }
0x11a: {  	v4 =	vperm.xlane v3, v0;
	_ =	sdelay $0x1  }
0x11b: {  	v3 =	vperm.xlane v3, v2;
	v4 =	vadd.s32 v1, v4;
	_ =	sdelay $0x1  }
0x11c: {  	v3 =	vadd.s32 v1, v3;
	_ =	sdelay $0x2  }
0x11d: {  	[tilespmem:s24], [sflag:$0x1] =	stream.indirect_vreg.gather [hbm4b:s1+s3], $0x80, v4, vm0, $0xb8;
	[tilespmem:$0x18A00] =	vst v63  }
0x11e: {  	_ = 	snop  }
0x11f: {  	[tilespmem:s25], [sflag:$0x1] =	stream.indirect_vreg.gather [hbm4b:s1+s3], $0x80, v3, vm0, $0xb8;
	[tilespmem:$0x18A00] =	vst v63  }
0x120: {  	v3 =	vld [tilespmem:$0x160];
	_ =	sdelay $0x4  }
0x121: {  	v61 =	vshll.u32 v3, $0x1  }
0x122: {  	v3 =	vand.u32 $0x7, v3;
	v4 =	vand.u32 $0xFFFFFFF0, v61  }
0x123: {  	v3 =	vor.u32 v3, v4  }
0x124: {  	v4 =	vperm.xlane v3, v0;
	_ =	sdelay $0x1  }
0x125: {  	v3 =	vperm.xlane v3, v2;
	v4 =	vadd.s32 v1, v4;
	_ =	sdelay $0x1  }
0x126: {  	v3 =	vadd.s32 v1, v3;
	_ =	sdelay $0x2  }
0x127: {  	[tilespmem:s26], [sflag:$0x1] =	stream.indirect_vreg.gather [hbm4b:s1+s3], $0x80, v4, vm0, $0xb8;
	[tilespmem:$0x18A00] =	vst v63  }
0x128: {  	_ = 	snop  }
0x129: {  	[tilespmem:s28], [sflag:$0x1] =	stream.indirect_vreg.gather [hbm4b:s1+s3], $0x80, v3, vm0, $0xb8;
	[tilespmem:$0x18A00] =	vst v63  }
0x12a: {  	v3 =	vld [tilespmem:$0x170];
	_ =	sdelay $0x4  }
0x12b: {  	v62 =	vshll.u32 v3, $0x1  }
0x12c: {  	v3 =	vand.u32 $0x7, v3;
	v4 =	vand.u32 $0xFFFFFFF0, v62  }
0x12d: {  	v3 =	vor.u32 v3, v4  }
0x12e: {  	v4 =	vperm.xlane v3, v0;
	_ =	sdelay $0x1  }
0x12f: {  	v3 =	vperm.xlane v3, v2;
	v4 =	vadd.s32 v1, v4;
	_ =	sdelay $0x1  }
0x130: {  	v3 =	vadd.s32 v1, v3;
	_ =	sdelay $0x2  }
0x131: {  	[tilespmem:s29], [sflag:$0x1] =	stream.indirect_vreg.gather [hbm4b:s1+s3], $0x80, v4, vm0, $0xb8;
	[tilespmem:$0x18A00] =	vst v63  }
0x132: {  	_ = 	snop  }
0x133: {  	[tilespmem:s30], [sflag:$0x1] =	stream.indirect_vreg.gather [hbm4b:s1+s3], $0x80, v3, vm0, $0xb8;
	[tilespmem:$0x18A00] =	vst v63  }
0x134: {  	v3 =	vld.msk [tilespmem:$0x180], $0xff;
	_ =	sdelay $0x4  }
0x135: {  	v63 =	vshll.u32 v3, $0x1  }
0x136: {  	v3 =	vand.u32 $0x7, v3;
	v4 =	vand.u32 $0xFFFFFFF0, v63  }
0x137: {  	v3 =	vor.u32 v3, v4  }
0x138: {  	v3 =	vperm.xlane v3, v0;
	_ =	sdelay $0x1  }
0x139: {  	v3 =	vadd.s32 v1, v3;
	_ =	sdelay $0x4  }
0x13a: {  	[tilespmem:s31], [sflag:$0x1] =	stream.indirect_vreg.gather [hbm4b:s1+s3], $0x80, v3, vm0, $0xb8;
	[tilespmem:$0x18A00] =	vst v63  }
0x13b: {  	_ =	swait.ge [sflag:s2], $0x3800  }
0x13c: {  	[sflag:s2] =	ssyncset.done $0x0  }
0x13d: {  	[sflag:s2] =	ssyncadd.s32 $0xFFFFC800  }
0x13e: {  	_ =	swait.ge [sflag:s2], $0x3800  }
0x13f: {  	[sflag:s2] =	ssyncset.done $0x0  }
0x140: {  	[sflag:s2] =	ssyncadd.s32 $0xFFFFC800  }
0x141: {  	_ =	swait.ge [sflag:s2], $0x3800  }
0x142: {  	[sflag:s2] =	ssyncset.done $0x0  }
0x143: {  	[sflag:s2] =	ssyncadd.s32 $0xFFFFC800  }
0x144: {  	_ =	swait.ge [sflag:s2], $0x3800  }
0x145: {  	[sflag:s2] =	ssyncset.done $0x0  }
0x146: {  	[sflag:s2] =	ssyncadd.s32 $0xFFFFC800  }
0x147: {  	_ =	swait.ge [sflag:s2], $0x3800  }
0x148: {  	[sflag:s2] =	ssyncset.done $0x0  }
0x149: {  	[sflag:s2] =	ssyncadd.s32 $0xFFFFC800  }
0x14a: {  	_ =	swait.ge [sflag:s2], $0x3800  }
0x14b: {  	[sflag:s2] =	ssyncset.done $0x0  }
0x14c: {  	[sflag:s2] =	ssyncadd.s32 $0xFFFFC800  }
0x14d: {  	_ =	swait.ge [sflag:s2], $0x3800  }
0x14e: {  	p0 =	sne.s32 s4, $0x1;
	[sflag:s2] =	ssyncset.done $0x0  }
.Ltmp0:
0x14f: {  	s7 =	rddreg [dreg:$0x5];
	[sflag:s2] =	ssyncadd.s32 $0xFFFFC800;
	(pc) =	sbr.rel @p0 .LBB2_1-.Ltmp0, $4  }
0x150: {  	[hbm4b:s7+s3] =	stream.linear.scatter [tilespmem:s6], [sflag:$0x2], $0x18800, $0x38;
	[tilespmem:$0x18A00] =	vst v63  }
0x151: {  	_ =	swait.ge [sflag:s5], $0x18800  }
0x152: {  	[sflag:s5] =	ssyncset.done $0x0  }
0x153: {  	s4 =	sadd.s32 $0xFFFFFFFF, s4;
	[sflag:s5] =	ssyncadd.s32 $0xFFFE7800  }
0x154: {  	_ =	sfence.sel $0x180000  }
0x155: {  	[bflag:$0x0] =	sbarrier.arrive $0xFFFF  }
0x156: {  	_ =	strace $0x90000047  }
0x157: {  	s0 =	stileid.u32;
	[bflag:$0x2] =	sbarrier.arrive $0xFFFF  }
0x158: {  	p0 =	sne.s32 s0, $0x0;
	s0 =	rddreg [dreg:$0x3]  }
0x159: {  	s0 =	sadd.s32 @!p0 $0x100000, s0  }
0x15a: {  	[sflag:s0] =	ssyncadd.tile.s32 @!p0 $0x1;
	_ =	shalt  }
.Lfunc_end2:
_tile_overlayer_lowered:
.L_overlay_start_2:
0x15b: {  	(tag) =	ssettag $0x2  }
0x15c: {  	s0 =	rddreg [dreg:$0x0];
	s2 =	stileid.u32  }
0x15d: {  	s1 =	rddreg [dreg:$0x1];
	p0 =	sne.s32 s2, $0x0  }
0x15e: {  	s3 =	rddreg [dreg:$0x2];
	[bflag:$0x3] =	sbarrier.arrive $0xFFFF;
	s2 =	simm.s32 @!p0 $0x1C02  }
0x15f: {  	[timem:s3], [sflag:s2] =	dma.local @!p0 [hbm:s0], s1  }
0x160: {  	s0 =	simm.s32 @!p0 $0x2  }
0x161: {  	_ =	swait.ge @!p0 [sflag:s0], s1  }
0x162: {  	s1 =	ssub.s32 @!p0 $0x0, s1;
	[sflag:s0] =	ssyncset.done @!p0 $0x0  }
0x163: {  	[sflag:s0] =	ssyncadd.s32 @!p0 s1  }
0x164: {  	[bflag:$0x3] =	sbarrier.arrive $0xFFFF  }
0x165: {  	_ =	shalt  }

</sc_bundles>
